<compile_context>
chip_gen: v7x
topology: tpu7x:2x2x1
jax: 0.10.2.dev20260603
libtpu: 0.0.44.dev20260713+nightly
codegen_flags: <defaults>
</compile_context>

<pallas_src>
import functools
import math

import jax
import jax.numpy as jnp
from jax import lax
from jax.experimental import pallas as pl
from jax.experimental.pallas import tpu as pltpu
from jax.experimental.pallas import tpu_sc as plsc

N = 10000
E = 160000
DN = 16
DA = 4
DO = 4
DP = 16
EMB = 16
H = 64

NC, NS = 2, 16
NW = NC * NS
EPW = E // NW
CH = 128
NFULL = EPW // CH
TAIL = EPW - NFULL * CH
NDW = 10
RPS = N // NDW

@functools.lru_cache(maxsize=None)
def _sc_kernels():
    mesh = plsc.VectorSubcoreMesh(
        core_axis_name="c", subcore_axis_name="s", num_cores=NC, num_subcores=NS
    )

    @functools.partial(
        pl.kernel,
        out_type=(
            jax.ShapeDtypeStruct((E, DN), jnp.float32),
            jax.ShapeDtypeStruct((E, DN), jnp.float32),
        ),
        mesh=mesh,
        scratch_types=[
            pltpu.VMEM((CH,), jnp.int32),
            pltpu.VMEM((CH,), jnp.int32),
            pltpu.VMEM((TAIL,), jnp.int32),
            pltpu.VMEM((TAIL,), jnp.int32),
            pltpu.VMEM((CH, DN), jnp.float32),
            pltpu.VMEM((CH, DN), jnp.float32),
            pltpu.VMEM((TAIL, DN), jnp.float32),
            pltpu.VMEM((TAIL, DN), jnp.float32),
            pltpu.SemaphoreType.DMA,
            pltpu.SemaphoreType.DMA,
        ],
        compiler_params=pltpu.CompilerParams(use_tc_tiling_on_sc=False),
    )
    def _sc_gather(x_hbm, ii_hbm, jj_hbm, xi_hbm, xj_hbm, idxi_v, idxj_v,
                   tidxi_v, tidxj_v, rowsi_v, rowsj_v, trowsi_v, trowsj_v,
                   semi, semj):
        cid = lax.axis_index("c")
        sid = lax.axis_index("s")
        w = sid * NC + cid
        base = w * EPW

        def chunk(c, carry):
            off = base + c * CH
            pltpu.sync_copy(ii_hbm.at[pl.ds(off, CH)], idxi_v)
            pltpu.sync_copy(jj_hbm.at[pl.ds(off, CH)], idxj_v)
            cpi = pltpu.async_copy(x_hbm.at[idxi_v], rowsi_v, semi)
            cpj = pltpu.async_copy(x_hbm.at[idxj_v], rowsj_v, semj)
            cpi.wait()
            pltpu.sync_copy(rowsi_v, xi_hbm.at[pl.ds(off, CH)])
            cpj.wait()
            pltpu.sync_copy(rowsj_v, xj_hbm.at[pl.ds(off, CH)])
            return carry

        lax.fori_loop(0, NFULL, chunk, 0)
        toff = base + NFULL * CH
        pltpu.sync_copy(ii_hbm.at[pl.ds(toff, TAIL)], tidxi_v)
        pltpu.sync_copy(jj_hbm.at[pl.ds(toff, TAIL)], tidxj_v)
        cpi = pltpu.async_copy(x_hbm.at[tidxi_v], trowsi_v, semi)
        cpj = pltpu.async_copy(x_hbm.at[tidxj_v], trowsj_v, semj)
        cpi.wait()
        pltpu.sync_copy(trowsi_v, xi_hbm.at[pl.ds(toff, TAIL)])
        cpj.wait()
        pltpu.sync_copy(trowsj_v, xj_hbm.at[pl.ds(toff, TAIL)])

    @functools.partial(
        pl.kernel,
        out_type=jax.ShapeDtypeStruct((NC, N, DP), jnp.float32),
        mesh=mesh,
        scratch_types=[
            pltpu.VMEM((CH,), jnp.int32),
            pltpu.VMEM((TAIL,), jnp.int32),
            pltpu.VMEM((CH, DP), jnp.float32),
            pltpu.VMEM((TAIL, DP), jnp.float32),
            pltpu.VMEM_SHARED((N, DP), jnp.float32),
            pltpu.SemaphoreType.DMA,
        ],
        compiler_params=pltpu.CompilerParams(use_tc_tiling_on_sc=False),
    )
    def _sc_scatter(eo_hbm, jj_hbm, zer_hbm, out_hbm, idx_v, tidx_v, rows_v,
                    trows_v, shared, sem):
        cid = lax.axis_index("c")
        sid = lax.axis_index("s")
        w = sid * NC + cid
        base = w * EPW

        @pl.when(sid == 0)
        def _():
            pltpu.sync_copy(zer_hbm, shared)

        plsc.subcore_barrier()

        def chunk(c, carry):
            off = base + c * CH
            pltpu.sync_copy(jj_hbm.at[pl.ds(off, CH)], idx_v)
            pltpu.sync_copy(eo_hbm.at[pl.ds(off, CH)], rows_v)
            pltpu.sync_copy(rows_v, shared.at[idx_v], add=True)
            return carry

        lax.fori_loop(0, NFULL, chunk, 0)
        toff = base + NFULL * CH
        pltpu.sync_copy(jj_hbm.at[pl.ds(toff, TAIL)], tidx_v)
        pltpu.sync_copy(eo_hbm.at[pl.ds(toff, TAIL)], trows_v)
        pltpu.sync_copy(trows_v, shared.at[tidx_v], add=True)

        plsc.subcore_barrier()

        @pl.when(sid < NDW)
        def _():
            pltpu.sync_copy(
                shared.at[pl.ds(sid * RPS, RPS)],
                out_hbm.at[cid, pl.ds(sid * RPS, RPS)],
            )

    return _sc_gather, _sc_scatter


BE = 4000


def _tc_edge_a_body(emb_ref, attr_ref, w1_ref, w2_ref, bq_ref):
    h = jnp.dot(emb_ref[...], w1_ref[...], preferred_element_type=jnp.float32)
    h = h * jax.nn.sigmoid(h)
    c = jnp.dot(h, w2_ref[...], preferred_element_type=jnp.float32)
    a = attr_ref[...]
    L = DO * 2 * DN
    bq = a[:, 0:1] * c[:, 0:L]
    for i in range(1, DA):
        bq += a[:, i:i + 1] * c[:, i * L:(i + 1) * L]
    bq_ref[...] = bq


def _tc_edge_a(emb, attr, w1s, w2c):
    return pl.pallas_call(
        _tc_edge_a_body,
        grid=(E // BE,),
        in_specs=[
            pl.BlockSpec((BE, EMB), lambda b: (b, 0)),
            pl.BlockSpec((BE, DA), lambda b: (b, 0)),
            pl.BlockSpec((EMB, H), lambda b: (0, 0)),
            pl.BlockSpec((H, DA * DO * 2 * DN), lambda b: (0, 0)),
        ],
        out_specs=pl.BlockSpec((BE, DO * 2 * DN), lambda b: (b, 0)),
        out_shape=jax.ShapeDtypeStruct((E, DO * 2 * DN), jnp.float32),
    )(emb, attr, w1s, w2c)


def _tc_edge_b_body(bq_ref, xi_ref, xj_ref, m_ref, out_ref, out4_ref):
    z = jnp.concatenate([xi_ref[...], xj_ref[...]], axis=1)
    z4 = jnp.concatenate([z] * DO, axis=1)
    eo = jnp.dot(bq_ref[...] * z4, m_ref[...],
                 preferred_element_type=jnp.float32)
    out_ref[...] = eo
    out4_ref[...] = eo[:, :DO]


def _tc_edge_b(bq, xi, xj, msel):
    return pl.pallas_call(
        _tc_edge_b_body,
        grid=(E // BE,),
        in_specs=[
            pl.BlockSpec((BE, DO * 2 * DN), lambda b: (b, 0)),
            pl.BlockSpec((BE, DN), lambda b: (b, 0)),
            pl.BlockSpec((BE, DN), lambda b: (b, 0)),
            pl.BlockSpec((DO * 2 * DN, DP), lambda b: (0, 0)),
        ],
        out_specs=[
            pl.BlockSpec((BE, DP), lambda b: (b, 0)),
            pl.BlockSpec((BE, DO), lambda b: (b, 0)),
        ],
        out_shape=[
            jax.ShapeDtypeStruct((E, DP), jnp.float32),
            jax.ShapeDtypeStruct((E, DO), jnp.float32),
        ],
    )(bq, xi, xj, msel)


BN = 2000


def _tc_node_body(x_ref, ps_ref, wn_ref, out_ref):
    e = (ps_ref[0] + ps_ref[1])[:, :DO]
    x = x_ref[...]
    acc = (jnp.dot(x, wn_ref[0], preferred_element_type=jnp.float32)
           * e[:, 0:1])
    for j in range(1, DO):
        acc += (jnp.dot(x, wn_ref[j], preferred_element_type=jnp.float32)
                * e[:, j:j + 1])
    out_ref[...] = acc


def _tc_node(x, ps, wn):
    return pl.pallas_call(
        _tc_node_body,
        grid=(N // BN,),
        in_specs=[
            pl.BlockSpec((BN, DN), lambda b: (b, 0)),
            pl.BlockSpec((NC, BN, DP), lambda b: (0, b, 0)),
            pl.BlockSpec((DO, DN, DN), lambda b: (0, 0, 0)),
        ],
        out_specs=pl.BlockSpec((BN, DN), lambda b: (b, 0)),
        out_shape=jax.ShapeDtypeStruct((N, DN), jnp.float32),
    )(x, ps, wn)


def kernel(x, edge_index, edge_attr, edge_len_emb, W1, W2, w_node):
    ii = edge_index[0]
    jj = edge_index[1]
    w1s = W1 * (1.0 / math.sqrt(EMB))
    w2c = (
        W2.reshape(H, DA, 2 * DN, DO).transpose(0, 1, 3, 2).reshape(H, DA * DO * 2 * DN)
        * (1.0 / (math.sqrt(H) * math.sqrt(DA * 2 * DN)))
    )
    rows = jnp.arange(DO * 2 * DN)[:, None] // (2 * DN)
    cols = jnp.arange(DP)[None, :]
    msel = (rows == cols).astype(jnp.float32)
    wn = w_node.transpose(1, 0, 2) * (1.0 / math.sqrt(DN * DO))
    zer = jnp.zeros((N, DP), jnp.float32)

    sc_gather, sc_scatter = _sc_kernels()
    xi, xj = sc_gather(x, ii, jj)
    bq = _tc_edge_a(edge_len_emb, edge_attr, w1s, w2c)
    eop, eo4 = _tc_edge_b(bq, xi, xj, msel)
    ps = sc_scatter(eop, jj, zer)
    xo = _tc_node(x, ps, wn)
    return (xo, eo4)

# --- scband reference (transcript-rebuilt; emitter-appended) ---
"""Pipeline reference for scband-mgnconv-72894184948202 (READ-ONLY COPY).

The authoritative reference and input builder live on the scoring server;
editing this copy changes nothing except your own understanding.
"""

import jax, jax.numpy as jnp
import numpy as np

N = 10000
E = 160000
D_NODE = 16
D_EDGE_IN = 4
D_EDGE_OUT = 4
EMB = 16
H = 64
WEIGHT_NUMEL = D_EDGE_IN * (2 * D_NODE) * D_EDGE_OUT  # 512


def setup_inputs(seed: int = 0) -> dict:
    key = jax.random.key(seed)
    ks = jax.random.split(key, 8)
    x = jax.random.normal(ks[0], (N, D_NODE), dtype=jnp.float32)
    edge_index = jax.random.randint(ks[1], (2, E), 0, N, dtype=jnp.int32)
    edge_attr = jax.random.normal(ks[2], (E, D_EDGE_IN), dtype=jnp.float32)
    edge_len_emb = jax.random.normal(ks[3], (E, EMB), dtype=jnp.float32)
    # radial MLP params (e3nn FullyConnectedNet stores unit-variance weights,
    # applies 1/sqrt(fan_in) at matmul time)
    W1 = jax.random.normal(ks[4], (EMB, H), dtype=jnp.float32)
    W2 = jax.random.normal(ks[5], (H, WEIGHT_NUMEL), dtype=jnp.float32)
    # node_tp internal shared weights: paths (node_in 16x0e) x (edge_out 4x0e) -> (node_out 16x0e)
    w_node = jax.random.normal(ks[6], (D_NODE, D_EDGE_OUT, D_NODE), dtype=jnp.float32)
    return {"x": x, "edge_index": edge_index, "edge_attr": edge_attr,
            "edge_len_emb": edge_len_emb, "W1": W1, "W2": W2, "w_node": w_node}


def reference(x, edge_index, edge_attr, edge_len_emb, W1, W2, w_node):
    i = edge_index[0]
    j = edge_index[1]
    # gather endpoint features and concat (irreps_node_in * 2 -> 32x0e)
    z = jnp.concatenate([jnp.take(x, i, axis=0), jnp.take(x, j, axis=0)], axis=-1)  # [E, 32]
    # radial MLP -> per-edge tensor-product weights
    h = jax.nn.silu(edge_len_emb @ (W1 / np.sqrt(EMB)))          # [E, 64]
    w_flat = h @ (W2 / np.sqrt(H))                                # [E, 512]
    w_edge = w_flat.reshape(E, D_EDGE_IN, 2 * D_NODE, D_EDGE_OUT)
    # edge_tp: fully-connected TP on scalar irreps with external per-edge weights
    edge_out = jnp.einsum('eijk,ei,ej->ek', w_edge, edge_attr, z) / np.sqrt(D_EDGE_IN * 2 * D_NODE)
    # scatter-add messages into destination nodes
    e_sum = jax.ops.segment_sum(edge_out, j, num_segments=N)      # [N, 4]
    # node_tp: fully-connected TP with internal shared weights
    x_out = jnp.einsum('ijk,ni,nj->nk', w_node, x, e_sum) / np.sqrt(D_NODE * D_EDGE_OUT)
    return (x_out, edge_out)

if __name__ == "__main__":
    import jax
    _d = setup_inputs()
    print(jax.jit(kernel)(*tuple(_d.values())))

</pallas_src>

<mosaic_0001>
#map = affine_map<(d0, d1) -> (0, 0)>
#map1 = affine_map<(d0, d1) -> (0)>
module attributes {stable_mosaic.version = 14 : i64} {
  func.func @_sc_gather(%arg0: i32, %arg1: i32, %arg2: memref<10000x16xf32, #tpu.memory_space<hbm>>, %arg3: memref<160000xi32, #tpu.memory_space<hbm>>, %arg4: memref<160000xi32, #tpu.memory_space<hbm>>, %arg5: memref<160000x16xf32, #tpu.memory_space<hbm>>, %arg6: memref<160000x16xf32, #tpu.memory_space<hbm>>, %arg7: memref<128xi32, #tpu.memory_space<vmem>>, %arg8: memref<128xi32, #tpu.memory_space<vmem>>, %arg9: memref<8xi32, #tpu.memory_space<vmem>>, %arg10: memref<8xi32, #tpu.memory_space<vmem>>, %arg11: memref<128x16xf32, #tpu.memory_space<vmem>>, %arg12: memref<128x16xf32, #tpu.memory_space<vmem>>, %arg13: memref<8x16xf32, #tpu.memory_space<vmem>>, %arg14: memref<8x16xf32, #tpu.memory_space<vmem>>, %arg15: memref<!tpu.dma_semaphore, #tpu.memory_space<semaphore_mem>>, %arg16: memref<!tpu.dma_semaphore, #tpu.memory_space<semaphore_mem>>) attributes {dimension_semantics = [#tpu.dimension_semantics<core_parallel>, #tpu.dimension_semantics<subcore_parallel>], iteration_bounds = array<i64: 2, 16>, scalar_prefetch = 0 : i64, scratch_operands = 10 : i64, tpu.core_type = #tpu.core_type<sc_vector_subcore>, window_params = [{transform_indices = #map}, {transform_indices = #map1}, {transform_indices = #map1}, {transform_indices = #map}, {transform_indices = #map}]} {
    %mul3A = arith.constant 2 : i32
    %mul3A_0 = arith.muli %arg1, %mul3A : i32
    %add3A = arith.addi %mul3A_0, %arg0 : i32
    %mul3A_1 = arith.constant 5000 : i32
    %mul3A_2 = arith.muli %add3A, %mul3A_1 : i32
    %scan3A = arith.constant 0 : i32
    %scan3A_3 = arith.constant 0 : i32
    %scan3A_4 = arith.constant 39 : i32
    %scan3A_5 = arith.addi %scan3A_3, %scan3A_4 : i32
    %scan3A_6 = arith.constant 1 : i32
    scf.for %scan3A_20 = %scan3A_3 to %scan3A_5 step %scan3A_6  : i32 {
      %mul3A_21 = arith.constant 128 : i32
      %mul3A_22 = arith.muli %scan3A_20, %mul3A_21 : i32
      %add3A_23 = arith.addi %mul3A_2, %mul3A_22 : i32
      "tpu.region"() ({
        %run_scoped3A = tpu.sem_alloc : memref<!tpu.dma_semaphore, #tpu.memory_space<semaphore_mem>>
        %dma_start3A_36 = tpu.memref_slice %arg3[%add3A_23] : memref<160000xi32, #tpu.memory_space<hbm>> -> memref<128xi32, #tpu.memory_space<hbm>>
        %dma_start3A_37 = tpu.memref_slice %arg3[%add3A_23] : memref<160000xi32, #tpu.memory_space<hbm>> -> memref<128xi32, #tpu.memory_space<hbm>>
        tpu.enqueue_dma source(%dma_start3A_37 : memref<128xi32, #tpu.memory_space<hbm>>) target(%arg7 : memref<128xi32, #tpu.memory_space<vmem>>) target_semaphore(%run_scoped3A : memref<!tpu.dma_semaphore, #tpu.memory_space<semaphore_mem>>)
        %dma_wait3A_38 = tpu.memref_slice %arg3[%add3A_23] : memref<160000xi32, #tpu.memory_space<hbm>> -> memref<128xi32, #tpu.memory_space<hbm>>
        %dma_wait3A_39 = tpu.memref_slice %arg3[%add3A_23] : memref<160000xi32, #tpu.memory_space<hbm>> -> memref<128xi32, #tpu.memory_space<hbm>>
        tpu.wait_dma2 semaphore(%run_scoped3A : memref<!tpu.dma_semaphore, #tpu.memory_space<semaphore_mem>>) src(%dma_wait3A_39 : memref<128xi32, #tpu.memory_space<hbm>>) dst(%arg7 : memref<128xi32, #tpu.memory_space<vmem>>)
        tpu.yield
      }) : () -> ()
      "tpu.region"() ({
        %run_scoped3A = tpu.sem_alloc : memref<!tpu.dma_semaphore, #tpu.memory_space<semaphore_mem>>
        %dma_start3A_36 = tpu.memref_slice %arg4[%add3A_23] : memref<160000xi32, #tpu.memory_space<hbm>> -> memref<128xi32, #tpu.memory_space<hbm>>
        %dma_start3A_37 = tpu.memref_slice %arg4[%add3A_23] : memref<160000xi32, #tpu.memory_space<hbm>> -> memref<128xi32, #tpu.memory_space<hbm>>
        tpu.enqueue_dma source(%dma_start3A_37 : memref<128xi32, #tpu.memory_space<hbm>>) target(%arg8 : memref<128xi32, #tpu.memory_space<vmem>>) target_semaphore(%run_scoped3A : memref<!tpu.dma_semaphore, #tpu.memory_space<semaphore_mem>>)
        %dma_wait3A_38 = tpu.memref_slice %arg4[%add3A_23] : memref<160000xi32, #tpu.memory_space<hbm>> -> memref<128xi32, #tpu.memory_space<hbm>>
        %dma_wait3A_39 = tpu.memref_slice %arg4[%add3A_23] : memref<160000xi32, #tpu.memory_space<hbm>> -> memref<128xi32, #tpu.memory_space<hbm>>
        tpu.wait_dma2 semaphore(%run_scoped3A : memref<!tpu.dma_semaphore, #tpu.memory_space<semaphore_mem>>) src(%dma_wait3A_39 : memref<128xi32, #tpu.memory_space<hbm>>) dst(%arg8 : memref<128xi32, #tpu.memory_space<vmem>>)
        tpu.yield
      }) : () -> ()
      %dma_start3A_24 = arith.constant 0 : i32
      %dma_start3A_25 = arith.constant 0 : i32
      %dma_start3A_26 = tpu.memref_slice %arg2[%dma_start3A_24, %dma_start3A_25] : memref<10000x16xf32, #tpu.memory_space<hbm>> -> memref<10000x16xf32, #tpu.memory_space<hbm>>
      tpu.enqueue_indirect_dma source(%dma_start3A_26 : memref<10000x16xf32, #tpu.memory_space<hbm>>) target(%arg11 : memref<128x16xf32, #tpu.memory_space<vmem>>) offsets(%arg7 : memref<128xi32, #tpu.memory_space<vmem>>) semaphore(%arg15 : memref<!tpu.dma_semaphore, #tpu.memory_space<semaphore_mem>>)
      %dma_start3A_27 = arith.constant 0 : i32
      %dma_start3A_28 = arith.constant 0 : i32
      %dma_start3A_29 = tpu.memref_slice %arg2[%dma_start3A_27, %dma_start3A_28] : memref<10000x16xf32, #tpu.memory_space<hbm>> -> memref<10000x16xf32, #tpu.memory_space<hbm>>
      tpu.enqueue_indirect_dma source(%dma_start3A_29 : memref<10000x16xf32, #tpu.memory_space<hbm>>) target(%arg12 : memref<128x16xf32, #tpu.memory_space<vmem>>) offsets(%arg8 : memref<128xi32, #tpu.memory_space<vmem>>) semaphore(%arg16 : memref<!tpu.dma_semaphore, #tpu.memory_space<semaphore_mem>>)
      %dma_wait3A_30 = arith.constant 0 : i32
      %dma_wait3A_31 = arith.constant 0 : i32
      %dma_wait3A_32 = tpu.memref_slice %arg2[%dma_wait3A_30, %dma_wait3A_31] : memref<10000x16xf32, #tpu.memory_space<hbm>> -> memref<10000x16xf32, #tpu.memory_space<hbm>>
      tpu.wait_indirect_dma semaphore(%arg15 : memref<!tpu.dma_semaphore, #tpu.memory_space<semaphore_mem>>) src(%dma_wait3A_32 : memref<10000x16xf32, #tpu.memory_space<hbm>>) dst(%arg11 : memref<128x16xf32, #tpu.memory_space<vmem>>)
      "tpu.region"() ({
        %run_scoped3A = tpu.sem_alloc : memref<!tpu.dma_semaphore, #tpu.memory_space<semaphore_mem>>
        %dma_start3A_36 = arith.constant 0 : i32
        %dma_start3A_37 = tpu.memref_slice %arg5[%add3A_23, %dma_start3A_36] : memref<160000x16xf32, #tpu.memory_space<hbm>> -> memref<128x16xf32, #tpu.memory_space<hbm>>
        %dma_start3A_38 = arith.constant 0 : i32
        %dma_start3A_39 = tpu.memref_slice %arg5[%add3A_23, %dma_start3A_38] : memref<160000x16xf32, #tpu.memory_space<hbm>> -> memref<128x16xf32, #tpu.memory_space<hbm>>
        tpu.enqueue_dma source(%arg11 : memref<128x16xf32, #tpu.memory_space<vmem>>) target(%dma_start3A_39 : memref<128x16xf32, #tpu.memory_space<hbm>>) target_semaphore(%run_scoped3A : memref<!tpu.dma_semaphore, #tpu.memory_space<semaphore_mem>>)
        %dma_wait3A_40 = arith.constant 0 : i32
        %dma_wait3A_41 = tpu.memref_slice %arg5[%add3A_23, %dma_wait3A_40] : memref<160000x16xf32, #tpu.memory_space<hbm>> -> memref<128x16xf32, #tpu.memory_space<hbm>>
        %dma_wait3A_42 = arith.constant 0 : i32
        %dma_wait3A_43 = tpu.memref_slice %arg5[%add3A_23, %dma_wait3A_42] : memref<160000x16xf32, #tpu.memory_space<hbm>> -> memref<128x16xf32, #tpu.memory_space<hbm>>
        tpu.wait_dma2 semaphore(%run_scoped3A : memref<!tpu.dma_semaphore, #tpu.memory_space<semaphore_mem>>) src(%arg11 : memref<128x16xf32, #tpu.memory_space<vmem>>) dst(%dma_wait3A_43 : memref<128x16xf32, #tpu.memory_space<hbm>>)
        tpu.yield
      }) : () -> ()
      %dma_wait3A_33 = arith.constant 0 : i32
      %dma_wait3A_34 = arith.constant 0 : i32
      %dma_wait3A_35 = tpu.memref_slice %arg2[%dma_wait3A_33, %dma_wait3A_34] : memref<10000x16xf32, #tpu.memory_space<hbm>> -> memref<10000x16xf32, #tpu.memory_space<hbm>>
      tpu.wait_indirect_dma semaphore(%arg16 : memref<!tpu.dma_semaphore, #tpu.memory_space<semaphore_mem>>) src(%dma_wait3A_35 : memref<10000x16xf32, #tpu.memory_space<hbm>>) dst(%arg12 : memref<128x16xf32, #tpu.memory_space<vmem>>)
      "tpu.region"() ({
        %run_scoped3A = tpu.sem_alloc : memref<!tpu.dma_semaphore, #tpu.memory_space<semaphore_mem>>
        %dma_start3A_36 = arith.constant 0 : i32
        %dma_start3A_37 = tpu.memref_slice %arg6[%add3A_23, %dma_start3A_36] : memref<160000x16xf32, #tpu.memory_space<hbm>> -> memref<128x16xf32, #tpu.memory_space<hbm>>
        %dma_start3A_38 = arith.constant 0 : i32
        %dma_start3A_39 = tpu.memref_slice %arg6[%add3A_23, %dma_start3A_38] : memref<160000x16xf32, #tpu.memory_space<hbm>> -> memref<128x16xf32, #tpu.memory_space<hbm>>
        tpu.enqueue_dma source(%arg12 : memref<128x16xf32, #tpu.memory_space<vmem>>) target(%dma_start3A_39 : memref<128x16xf32, #tpu.memory_space<hbm>>) target_semaphore(%run_scoped3A : memref<!tpu.dma_semaphore, #tpu.memory_space<semaphore_mem>>)
        %dma_wait3A_40 = arith.constant 0 : i32
        %dma_wait3A_41 = tpu.memref_slice %arg6[%add3A_23, %dma_wait3A_40] : memref<160000x16xf32, #tpu.memory_space<hbm>> -> memref<128x16xf32, #tpu.memory_space<hbm>>
        %dma_wait3A_42 = arith.constant 0 : i32
        %dma_wait3A_43 = tpu.memref_slice %arg6[%add3A_23, %dma_wait3A_42] : memref<160000x16xf32, #tpu.memory_space<hbm>> -> memref<128x16xf32, #tpu.memory_space<hbm>>
        tpu.wait_dma2 semaphore(%run_scoped3A : memref<!tpu.dma_semaphore, #tpu.memory_space<semaphore_mem>>) src(%arg12 : memref<128x16xf32, #tpu.memory_space<vmem>>) dst(%dma_wait3A_43 : memref<128x16xf32, #tpu.memory_space<hbm>>)
        tpu.yield
      }) : () -> ()
    }
    %scan3A_7 = arith.constant 39 : i32
    %add3A_8 = arith.constant 4992 : i32
    %add3A_9 = arith.addi %mul3A_2, %add3A_8 : i32
    "tpu.region"() ({
      %run_scoped3A = tpu.sem_alloc : memref<!tpu.dma_semaphore, #tpu.memory_space<semaphore_mem>>
      %dma_start3A_20 = tpu.memref_slice %arg3[%add3A_9] : memref<160000xi32, #tpu.memory_space<hbm>> -> memref<8xi32, #tpu.memory_space<hbm>>
      %dma_start3A_21 = tpu.memref_slice %arg3[%add3A_9] : memref<160000xi32, #tpu.memory_space<hbm>> -> memref<8xi32, #tpu.memory_space<hbm>>
      tpu.enqueue_dma source(%dma_start3A_21 : memref<8xi32, #tpu.memory_space<hbm>>) target(%arg9 : memref<8xi32, #tpu.memory_space<vmem>>) target_semaphore(%run_scoped3A : memref<!tpu.dma_semaphore, #tpu.memory_space<semaphore_mem>>)
      %dma_wait3A_22 = tpu.memref_slice %arg3[%add3A_9] : memref<160000xi32, #tpu.memory_space<hbm>> -> memref<8xi32, #tpu.memory_space<hbm>>
      %dma_wait3A_23 = tpu.memref_slice %arg3[%add3A_9] : memref<160000xi32, #tpu.memory_space<hbm>> -> memref<8xi32, #tpu.memory_space<hbm>>
      tpu.wait_dma2 semaphore(%run_scoped3A : memref<!tpu.dma_semaphore, #tpu.memory_space<semaphore_mem>>) src(%dma_wait3A_23 : memref<8xi32, #tpu.memory_space<hbm>>) dst(%arg9 : memref<8xi32, #tpu.memory_space<vmem>>)
      tpu.yield
    }) : () -> ()
    "tpu.region"() ({
      %run_scoped3A = tpu.sem_alloc : memref<!tpu.dma_semaphore, #tpu.memory_space<semaphore_mem>>
      %dma_start3A_20 = tpu.memref_slice %arg4[%add3A_9] : memref<160000xi32, #tpu.memory_space<hbm>> -> memref<8xi32, #tpu.memory_space<hbm>>
      %dma_start3A_21 = tpu.memref_slice %arg4[%add3A_9] : memref<160000xi32, #tpu.memory_space<hbm>> -> memref<8xi32, #tpu.memory_space<hbm>>
      tpu.enqueue_dma source(%dma_start3A_21 : memref<8xi32, #tpu.memory_space<hbm>>) target(%arg10 : memref<8xi32, #tpu.memory_space<vmem>>) target_semaphore(%run_scoped3A : memref<!tpu.dma_semaphore, #tpu.memory_space<semaphore_mem>>)
      %dma_wait3A_22 = tpu.memref_slice %arg4[%add3A_9] : memref<160000xi32, #tpu.memory_space<hbm>> -> memref<8xi32, #tpu.memory_space<hbm>>
      %dma_wait3A_23 = tpu.memref_slice %arg4[%add3A_9] : memref<160000xi32, #tpu.memory_space<hbm>> -> memref<8xi32, #tpu.memory_space<hbm>>
      tpu.wait_dma2 semaphore(%run_scoped3A : memref<!tpu.dma_semaphore, #tpu.memory_space<semaphore_mem>>) src(%dma_wait3A_23 : memref<8xi32, #tpu.memory_space<hbm>>) dst(%arg10 : memref<8xi32, #tpu.memory_space<vmem>>)
      tpu.yield
    }) : () -> ()
    %dma_start3A = arith.constant 0 : i32
    %dma_start3A_10 = arith.constant 0 : i32
    %dma_start3A_11 = tpu.memref_slice %arg2[%dma_start3A, %dma_start3A_10] : memref<10000x16xf32, #tpu.memory_space<hbm>> -> memref<10000x16xf32, #tpu.memory_space<hbm>>
    tpu.enqueue_indirect_dma source(%dma_start3A_11 : memref<10000x16xf32, #tpu.memory_space<hbm>>) target(%arg13 : memref<8x16xf32, #tpu.memory_space<vmem>>) offsets(%arg9 : memref<8xi32, #tpu.memory_space<vmem>>) semaphore(%arg15 : memref<!tpu.dma_semaphore, #tpu.memory_space<semaphore_mem>>)
    %dma_start3A_12 = arith.constant 0 : i32
    %dma_start3A_13 = arith.constant 0 : i32
    %dma_start3A_14 = tpu.memref_slice %arg2[%dma_start3A_12, %dma_start3A_13] : memref<10000x16xf32, #tpu.memory_space<hbm>> -> memref<10000x16xf32, #tpu.memory_space<hbm>>
    tpu.enqueue_indirect_dma source(%dma_start3A_14 : memref<10000x16xf32, #tpu.memory_space<hbm>>) target(%arg14 : memref<8x16xf32, #tpu.memory_space<vmem>>) offsets(%arg10 : memref<8xi32, #tpu.memory_space<vmem>>) semaphore(%arg16 : memref<!tpu.dma_semaphore, #tpu.memory_space<semaphore_mem>>)
    %dma_wait3A = arith.constant 0 : i32
    %dma_wait3A_15 = arith.constant 0 : i32
    %dma_wait3A_16 = tpu.memref_slice %arg2[%dma_wait3A, %dma_wait3A_15] : memref<10000x16xf32, #tpu.memory_space<hbm>> -> memref<10000x16xf32, #tpu.memory_space<hbm>>
    tpu.wait_indirect_dma semaphore(%arg15 : memref<!tpu.dma_semaphore, #tpu.memory_space<semaphore_mem>>) src(%dma_wait3A_16 : memref<10000x16xf32, #tpu.memory_space<hbm>>) dst(%arg13 : memref<8x16xf32, #tpu.memory_space<vmem>>)
    "tpu.region"() ({
      %run_scoped3A = tpu.sem_alloc : memref<!tpu.dma_semaphore, #tpu.memory_space<semaphore_mem>>
      %dma_start3A_20 = arith.constant 0 : i32
      %dma_start3A_21 = tpu.memref_slice %arg5[%add3A_9, %dma_start3A_20] : memref<160000x16xf32, #tpu.memory_space<hbm>> -> memref<8x16xf32, #tpu.memory_space<hbm>>
      %dma_start3A_22 = arith.constant 0 : i32
      %dma_start3A_23 = tpu.memref_slice %arg5[%add3A_9, %dma_start3A_22] : memref<160000x16xf32, #tpu.memory_space<hbm>> -> memref<8x16xf32, #tpu.memory_space<hbm>>
      tpu.enqueue_dma source(%arg13 : memref<8x16xf32, #tpu.memory_space<vmem>>) target(%dma_start3A_23 : memref<8x16xf32, #tpu.memory_space<hbm>>) target_semaphore(%run_scoped3A : memref<!tpu.dma_semaphore, #tpu.memory_space<semaphore_mem>>)
      %dma_wait3A_24 = arith.constant 0 : i32
      %dma_wait3A_25 = tpu.memref_slice %arg5[%add3A_9, %dma_wait3A_24] : memref<160000x16xf32, #tpu.memory_space<hbm>> -> memref<8x16xf32, #tpu.memory_space<hbm>>
      %dma_wait3A_26 = arith.constant 0 : i32
      %dma_wait3A_27 = tpu.memref_slice %arg5[%add3A_9, %dma_wait3A_26] : memref<160000x16xf32, #tpu.memory_space<hbm>> -> memref<8x16xf32, #tpu.memory_space<hbm>>
      tpu.wait_dma2 semaphore(%run_scoped3A : memref<!tpu.dma_semaphore, #tpu.memory_space<semaphore_mem>>) src(%arg13 : memref<8x16xf32, #tpu.memory_space<vmem>>) dst(%dma_wait3A_27 : memref<8x16xf32, #tpu.memory_space<hbm>>)
      tpu.yield
    }) : () -> ()
    %dma_wait3A_17 = arith.constant 0 : i32
    %dma_wait3A_18 = arith.constant 0 : i32
    %dma_wait3A_19 = tpu.memref_slice %arg2[%dma_wait3A_17, %dma_wait3A_18] : memref<10000x16xf32, #tpu.memory_space<hbm>> -> memref<10000x16xf32, #tpu.memory_space<hbm>>
    tpu.wait_indirect_dma semaphore(%arg16 : memref<!tpu.dma_semaphore, #tpu.memory_space<semaphore_mem>>) src(%dma_wait3A_19 : memref<10000x16xf32, #tpu.memory_space<hbm>>) dst(%arg14 : memref<8x16xf32, #tpu.memory_space<vmem>>)
    "tpu.region"() ({
      %run_scoped3A = tpu.sem_alloc : memref<!tpu.dma_semaphore, #tpu.memory_space<semaphore_mem>>
      %dma_start3A_20 = arith.constant 0 : i32
      %dma_start3A_21 = tpu.memref_slice %arg6[%add3A_9, %dma_start3A_20] : memref<160000x16xf32, #tpu.memory_space<hbm>> -> memref<8x16xf32, #tpu.memory_space<hbm>>
      %dma_start3A_22 = arith.constant 0 : i32
      %dma_start3A_23 = tpu.memref_slice %arg6[%add3A_9, %dma_start3A_22] : memref<160000x16xf32, #tpu.memory_space<hbm>> -> memref<8x16xf32, #tpu.memory_space<hbm>>
      tpu.enqueue_dma source(%arg14 : memref<8x16xf32, #tpu.memory_space<vmem>>) target(%dma_start3A_23 : memref<8x16xf32, #tpu.memory_space<hbm>>) target_semaphore(%run_scoped3A : memref<!tpu.dma_semaphore, #tpu.memory_space<semaphore_mem>>)
      %dma_wait3A_24 = arith.constant 0 : i32
      %dma_wait3A_25 = tpu.memref_slice %arg6[%add3A_9, %dma_wait3A_24] : memref<160000x16xf32, #tpu.memory_space<hbm>> -> memref<8x16xf32, #tpu.memory_space<hbm>>
      %dma_wait3A_26 = arith.constant 0 : i32
      %dma_wait3A_27 = tpu.memref_slice %arg6[%add3A_9, %dma_wait3A_26] : memref<160000x16xf32, #tpu.memory_space<hbm>> -> memref<8x16xf32, #tpu.memory_space<hbm>>
      tpu.wait_dma2 semaphore(%run_scoped3A : memref<!tpu.dma_semaphore, #tpu.memory_space<semaphore_mem>>) src(%arg14 : memref<8x16xf32, #tpu.memory_space<vmem>>) dst(%dma_wait3A_27 : memref<8x16xf32, #tpu.memory_space<hbm>>)
      tpu.yield
    }) : () -> ()
    return
  }
}

#map = affine_map<(d0, d1) -> (0, 0)>
#map1 = affine_map<(d0, d1) -> (0)>
#map2 = affine_map<(d0, d1) -> (0, 0, 0)>
module attributes {stable_mosaic.version = 14 : i64} {
  func.func @_sc_scatter(%arg0: i32, %arg1: i32, %arg2: memref<160000x16xf32, #tpu.memory_space<hbm>>, %arg3: memref<160000xi32, #tpu.memory_space<hbm>>, %arg4: memref<10000x16xf32, #tpu.memory_space<hbm>>, %arg5: memref<2x10000x16xf32, #tpu.memory_space<hbm>>, %arg6: memref<128xi32, #tpu.memory_space<vmem>>, %arg7: memref<8xi32, #tpu.memory_space<vmem>>, %arg8: memref<128x16xf32, #tpu.memory_space<vmem>>, %arg9: memref<8x16xf32, #tpu.memory_space<vmem>>, %arg10: memref<10000x16xf32, #tpu.memory_space<vmem_shared>>, %arg11: memref<!tpu.dma_semaphore, #tpu.memory_space<semaphore_mem>>) attributes {dimension_semantics = [#tpu.dimension_semantics<core_parallel>, #tpu.dimension_semantics<subcore_parallel>], iteration_bounds = array<i64: 2, 16>, scalar_prefetch = 0 : i64, scratch_operands = 6 : i64, tpu.core_type = #tpu.core_type<sc_vector_subcore>, window_params = [{transform_indices = #map}, {transform_indices = #map1}, {transform_indices = #map}, {transform_indices = #map2}]} {
    %mul3A = arith.constant 2 : i32
    %mul3A_0 = arith.muli %arg1, %mul3A : i32
    %add3A = arith.addi %mul3A_0, %arg0 : i32
    %mul3A_1 = arith.constant 5000 : i32
    %mul3A_2 = arith.muli %add3A, %mul3A_1 : i32
    %eq3A = arith.constant 0 : i32
    %eq3A_3 = arith.cmpi eq, %arg1, %eq3A : i32
    %convert_element_type3A = arith.extui %eq3A_3 : i1 to i32
    %cond3A = arith.constant 0 : i32
    %cond3A_4 = arith.cmpi ne, %convert_element_type3A, %cond3A : i32
    scf.if %cond3A_4 {
      "tpu.region"() ({
        %run_scoped3A = tpu.sem_alloc : memref<!tpu.dma_semaphore, #tpu.memory_space<semaphore_mem>>
        tpu.enqueue_dma source(%arg4 : memref<10000x16xf32, #tpu.memory_space<hbm>>) target(%arg10 : memref<10000x16xf32, #tpu.memory_space<vmem_shared>>) target_semaphore(%run_scoped3A : memref<!tpu.dma_semaphore, #tpu.memory_space<semaphore_mem>>)
        tpu.wait_dma2 semaphore(%run_scoped3A : memref<!tpu.dma_semaphore, #tpu.memory_space<semaphore_mem>>) src(%arg4 : memref<10000x16xf32, #tpu.memory_space<hbm>>) dst(%arg10 : memref<10000x16xf32, #tpu.memory_space<vmem_shared>>)
        tpu.yield
      }) : () -> ()
    } else {
    }
    %barrier3A = arith.constant 0 : index
    tpu.barrier barrier_id(%barrier3A)
    %scan3A = arith.constant 0 : i32
    %scan3A_5 = arith.constant 0 : i32
    %scan3A_6 = arith.constant 39 : i32
    %scan3A_7 = arith.addi %scan3A_5, %scan3A_6 : i32
    %scan3A_8 = arith.constant 1 : i32
    scf.for %scan3A_17 = %scan3A_5 to %scan3A_7 step %scan3A_8  : i32 {
      %mul3A_18 = arith.constant 128 : i32
      %mul3A_19 = arith.muli %scan3A_17, %mul3A_18 : i32
      %add3A_20 = arith.addi %mul3A_2, %mul3A_19 : i32
      "tpu.region"() ({
        %run_scoped3A = tpu.sem_alloc : memref<!tpu.dma_semaphore, #tpu.memory_space<semaphore_mem>>
        %dma_start3A = tpu.memref_slice %arg3[%add3A_20] : memref<160000xi32, #tpu.memory_space<hbm>> -> memref<128xi32, #tpu.memory_space<hbm>>
        %dma_start3A_21 = tpu.memref_slice %arg3[%add3A_20] : memref<160000xi32, #tpu.memory_space<hbm>> -> memref<128xi32, #tpu.memory_space<hbm>>
        tpu.enqueue_dma source(%dma_start3A_21 : memref<128xi32, #tpu.memory_space<hbm>>) target(%arg6 : memref<128xi32, #tpu.memory_space<vmem>>) target_semaphore(%run_scoped3A : memref<!tpu.dma_semaphore, #tpu.memory_space<semaphore_mem>>)
        %dma_wait3A = tpu.memref_slice %arg3[%add3A_20] : memref<160000xi32, #tpu.memory_space<hbm>> -> memref<128xi32, #tpu.memory_space<hbm>>
        %dma_wait3A_22 = tpu.memref_slice %arg3[%add3A_20] : memref<160000xi32, #tpu.memory_space<hbm>> -> memref<128xi32, #tpu.memory_space<hbm>>
        tpu.wait_dma2 semaphore(%run_scoped3A : memref<!tpu.dma_semaphore, #tpu.memory_space<semaphore_mem>>) src(%dma_wait3A_22 : memref<128xi32, #tpu.memory_space<hbm>>) dst(%arg6 : memref<128xi32, #tpu.memory_space<vmem>>)
        tpu.yield
      }) : () -> ()
      "tpu.region"() ({
        %run_scoped3A = tpu.sem_alloc : memref<!tpu.dma_semaphore, #tpu.memory_space<semaphore_mem>>
        %dma_start3A = arith.constant 0 : i32
        %dma_start3A_21 = tpu.memref_slice %arg2[%add3A_20, %dma_start3A] : memref<160000x16xf32, #tpu.memory_space<hbm>> -> memref<128x16xf32, #tpu.memory_space<hbm>>
        %dma_start3A_22 = arith.constant 0 : i32
        %dma_start3A_23 = tpu.memref_slice %arg2[%add3A_20, %dma_start3A_22] : memref<160000x16xf32, #tpu.memory_space<hbm>> -> memref<128x16xf32, #tpu.memory_space<hbm>>
        tpu.enqueue_dma source(%dma_start3A_23 : memref<128x16xf32, #tpu.memory_space<hbm>>) target(%arg8 : memref<128x16xf32, #tpu.memory_space<vmem>>) target_semaphore(%run_scoped3A : memref<!tpu.dma_semaphore, #tpu.memory_space<semaphore_mem>>)
        %dma_wait3A = arith.constant 0 : i32
        %dma_wait3A_24 = tpu.memref_slice %arg2[%add3A_20, %dma_wait3A] : memref<160000x16xf32, #tpu.memory_space<hbm>> -> memref<128x16xf32, #tpu.memory_space<hbm>>
        %dma_wait3A_25 = arith.constant 0 : i32
        %dma_wait3A_26 = tpu.memref_slice %arg2[%add3A_20, %dma_wait3A_25] : memref<160000x16xf32, #tpu.memory_space<hbm>> -> memref<128x16xf32, #tpu.memory_space<hbm>>
        tpu.wait_dma2 semaphore(%run_scoped3A : memref<!tpu.dma_semaphore, #tpu.memory_space<semaphore_mem>>) src(%dma_wait3A_26 : memref<128x16xf32, #tpu.memory_space<hbm>>) dst(%arg8 : memref<128x16xf32, #tpu.memory_space<vmem>>)
        tpu.yield
      }) : () -> ()
      "tpu.region"() ({
        %run_scoped3A = tpu.sem_alloc : memref<!tpu.dma_semaphore, #tpu.memory_space<semaphore_mem>>
        %dma_start3A = arith.constant 0 : i32
        %dma_start3A_21 = arith.constant 0 : i32
        %dma_start3A_22 = tpu.memref_slice %arg10[%dma_start3A, %dma_start3A_21] : memref<10000x16xf32, #tpu.memory_space<vmem_shared>> -> memref<10000x16xf32, #tpu.memory_space<vmem_shared>>
        tpu.enqueue_indirect_dma source(%arg8 : memref<128x16xf32, #tpu.memory_space<vmem>>) target(%dma_start3A_22 : memref<10000x16xf32, #tpu.memory_space<vmem_shared>>) offsets(%arg6 : memref<128xi32, #tpu.memory_space<vmem>>) semaphore(%run_scoped3A : memref<!tpu.dma_semaphore, #tpu.memory_space<semaphore_mem>>) {add = true}
        %dma_wait3A = arith.constant 0 : i32
        %dma_wait3A_23 = arith.constant 0 : i32
        %dma_wait3A_24 = tpu.memref_slice %arg10[%dma_wait3A, %dma_wait3A_23] : memref<10000x16xf32, #tpu.memory_space<vmem_shared>> -> memref<10000x16xf32, #tpu.memory_space<vmem_shared>>
        tpu.wait_indirect_dma semaphore(%run_scoped3A : memref<!tpu.dma_semaphore, #tpu.memory_space<semaphore_mem>>) src(%arg8 : memref<128x16xf32, #tpu.memory_space<vmem>>) dst(%dma_wait3A_24 : memref<10000x16xf32, #tpu.memory_space<vmem_shared>>)
        tpu.yield
      }) : () -> ()
    }
    %scan3A_9 = arith.constant 39 : i32
    %add3A_10 = arith.constant 4992 : i32
    %add3A_11 = arith.addi %mul3A_2, %add3A_10 : i32
    "tpu.region"() ({
      %run_scoped3A = tpu.sem_alloc : memref<!tpu.dma_semaphore, #tpu.memory_space<semaphore_mem>>
      %dma_start3A = tpu.memref_slice %arg3[%add3A_11] : memref<160000xi32, #tpu.memory_space<hbm>> -> memref<8xi32, #tpu.memory_space<hbm>>
      %dma_start3A_17 = tpu.memref_slice %arg3[%add3A_11] : memref<160000xi32, #tpu.memory_space<hbm>> -> memref<8xi32, #tpu.memory_space<hbm>>
      tpu.enqueue_dma source(%dma_start3A_17 : memref<8xi32, #tpu.memory_space<hbm>>) target(%arg7 : memref<8xi32, #tpu.memory_space<vmem>>) target_semaphore(%run_scoped3A : memref<!tpu.dma_semaphore, #tpu.memory_space<semaphore_mem>>)
      %dma_wait3A = tpu.memref_slice %arg3[%add3A_11] : memref<160000xi32, #tpu.memory_space<hbm>> -> memref<8xi32, #tpu.memory_space<hbm>>
      %dma_wait3A_18 = tpu.memref_slice %arg3[%add3A_11] : memref<160000xi32, #tpu.memory_space<hbm>> -> memref<8xi32, #tpu.memory_space<hbm>>
      tpu.wait_dma2 semaphore(%run_scoped3A : memref<!tpu.dma_semaphore, #tpu.memory_space<semaphore_mem>>) src(%dma_wait3A_18 : memref<8xi32, #tpu.memory_space<hbm>>) dst(%arg7 : memref<8xi32, #tpu.memory_space<vmem>>)
      tpu.yield
    }) : () -> ()
    "tpu.region"() ({
      %run_scoped3A = tpu.sem_alloc : memref<!tpu.dma_semaphore, #tpu.memory_space<semaphore_mem>>
      %dma_start3A = arith.constant 0 : i32
      %dma_start3A_17 = tpu.memref_slice %arg2[%add3A_11, %dma_start3A] : memref<160000x16xf32, #tpu.memory_space<hbm>> -> memref<8x16xf32, #tpu.memory_space<hbm>>
      %dma_start3A_18 = arith.constant 0 : i32
      %dma_start3A_19 = tpu.memref_slice %arg2[%add3A_11, %dma_start3A_18] : memref<160000x16xf32, #tpu.memory_space<hbm>> -> memref<8x16xf32, #tpu.memory_space<hbm>>
      tpu.enqueue_dma source(%dma_start3A_19 : memref<8x16xf32, #tpu.memory_space<hbm>>) target(%arg9 : memref<8x16xf32, #tpu.memory_space<vmem>>) target_semaphore(%run_scoped3A : memref<!tpu.dma_semaphore, #tpu.memory_space<semaphore_mem>>)
      %dma_wait3A = arith.constant 0 : i32
      %dma_wait3A_20 = tpu.memref_slice %arg2[%add3A_11, %dma_wait3A] : memref<160000x16xf32, #tpu.memory_space<hbm>> -> memref<8x16xf32, #tpu.memory_space<hbm>>
      %dma_wait3A_21 = arith.constant 0 : i32
      %dma_wait3A_22 = tpu.memref_slice %arg2[%add3A_11, %dma_wait3A_21] : memref<160000x16xf32, #tpu.memory_space<hbm>> -> memref<8x16xf32, #tpu.memory_space<hbm>>
      tpu.wait_dma2 semaphore(%run_scoped3A : memref<!tpu.dma_semaphore, #tpu.memory_space<semaphore_mem>>) src(%dma_wait3A_22 : memref<8x16xf32, #tpu.memory_space<hbm>>) dst(%arg9 : memref<8x16xf32, #tpu.memory_space<vmem>>)
      tpu.yield
    }) : () -> ()
    "tpu.region"() ({
      %run_scoped3A = tpu.sem_alloc : memref<!tpu.dma_semaphore, #tpu.memory_space<semaphore_mem>>
      %dma_start3A = arith.constant 0 : i32
      %dma_start3A_17 = arith.constant 0 : i32
      %dma_start3A_18 = tpu.memref_slice %arg10[%dma_start3A, %dma_start3A_17] : memref<10000x16xf32, #tpu.memory_space<vmem_shared>> -> memref<10000x16xf32, #tpu.memory_space<vmem_shared>>
      tpu.enqueue_indirect_dma source(%arg9 : memref<8x16xf32, #tpu.memory_space<vmem>>) target(%dma_start3A_18 : memref<10000x16xf32, #tpu.memory_space<vmem_shared>>) offsets(%arg7 : memref<8xi32, #tpu.memory_space<vmem>>) semaphore(%run_scoped3A : memref<!tpu.dma_semaphore, #tpu.memory_space<semaphore_mem>>) {add = true}
      %dma_wait3A = arith.constant 0 : i32
      %dma_wait3A_19 = arith.constant 0 : i32
      %dma_wait3A_20 = tpu.memref_slice %arg10[%dma_wait3A, %dma_wait3A_19] : memref<10000x16xf32, #tpu.memory_space<vmem_shared>> -> memref<10000x16xf32, #tpu.memory_space<vmem_shared>>
      tpu.wait_indirect_dma semaphore(%run_scoped3A : memref<!tpu.dma_semaphore, #tpu.memory_space<semaphore_mem>>) src(%arg9 : memref<8x16xf32, #tpu.memory_space<vmem>>) dst(%dma_wait3A_20 : memref<10000x16xf32, #tpu.memory_space<vmem_shared>>)
      tpu.yield
    }) : () -> ()
    %barrier3A_12 = arith.constant 0 : index
    tpu.barrier barrier_id(%barrier3A_12)
    %lt3A = arith.constant 10 : i32
    %lt3A_13 = arith.cmpi slt, %arg1, %lt3A : i32
    %convert_element_type3A_14 = arith.extui %lt3A_13 : i1 to i32
    %cond3A_15 = arith.constant 0 : i32
    %cond3A_16 = arith.cmpi ne, %convert_element_type3A_14, %cond3A_15 : i32
    scf.if %cond3A_16 {
      %mul3A_17 = arith.constant 1000 : i32
      %mul3A_18 = arith.muli %arg1, %mul3A_17 : i32
      %mul3A_19 = arith.constant 1000 : i32
      %mul3A_20 = arith.muli %arg1, %mul3A_19 : i32
      "tpu.region"() ({
        %run_scoped3A = tpu.sem_alloc : memref<!tpu.dma_semaphore, #tpu.memory_space<semaphore_mem>>
        %dma_start3A = arith.constant 0 : i32
        %dma_start3A_21 = tpu.memref_slice %arg5[%arg0, %mul3A_20, %dma_start3A] : memref<2x10000x16xf32, #tpu.memory_space<hbm>> -> memref<1x1000x16xf32, #tpu.memory_space<hbm>>
        %dma_start3A_22 = tpu.memref_squeeze %dma_start3A_21 : memref<1x1000x16xf32, #tpu.memory_space<hbm>> -> memref<1000x16xf32, #tpu.memory_space<hbm>>
        %dma_start3A_23 = arith.constant 0 : i32
        %dma_start3A_24 = tpu.memref_slice %arg10[%mul3A_18, %dma_start3A_23] : memref<10000x16xf32, #tpu.memory_space<vmem_shared>> -> memref<1000x16xf32, #tpu.memory_space<vmem_shared>>
        tpu.enqueue_dma source(%dma_start3A_24 : memref<1000x16xf32, #tpu.memory_space<vmem_shared>>) target(%dma_start3A_22 : memref<1000x16xf32, #tpu.memory_space<hbm>>) target_semaphore(%run_scoped3A : memref<!tpu.dma_semaphore, #tpu.memory_space<semaphore_mem>>)
        %dma_wait3A = arith.constant 0 : i32
        %dma_wait3A_25 = tpu.memref_slice %arg5[%arg0, %mul3A_20, %dma_wait3A] : memref<2x10000x16xf32, #tpu.memory_space<hbm>> -> memref<1x1000x16xf32, #tpu.memory_space<hbm>>
        %dma_wait3A_26 = tpu.memref_squeeze %dma_wait3A_25 : memref<1x1000x16xf32, #tpu.memory_space<hbm>> -> memref<1000x16xf32, #tpu.memory_space<hbm>>
        %dma_wait3A_27 = arith.constant 0 : i32
        %dma_wait3A_28 = tpu.memref_slice %arg10[%mul3A_18, %dma_wait3A_27] : memref<10000x16xf32, #tpu.memory_space<vmem_shared>> -> memref<1000x16xf32, #tpu.memory_space<vmem_shared>>
        tpu.wait_dma2 semaphore(%run_scoped3A : memref<!tpu.dma_semaphore, #tpu.memory_space<semaphore_mem>>) src(%dma_wait3A_28 : memref<1000x16xf32, #tpu.memory_space<vmem_shared>>) dst(%dma_wait3A_26 : memref<1000x16xf32, #tpu.memory_space<hbm>>)
        tpu.yield
      }) : () -> ()
    } else {
    }
    return
  }
}

module attributes {stable_mosaic.version = 14 : i64} {
  func.func @_tc_edge_a_body(%arg0: i32, %arg1: memref<4000x16xf32, #tpu.memory_space<vmem>>, %arg2: memref<4000x4xf32, #tpu.memory_space<vmem>>, %arg3: memref<16x64xf32, #tpu.memory_space<vmem>>, %arg4: memref<64x512xf32, #tpu.memory_space<vmem>>, %arg5: memref<4000x128xf32, #tpu.memory_space<vmem>>) attributes {dimension_semantics = [#tpu.dimension_semantics<arbitrary>], iteration_bounds = array<i64: 40>, scalar_prefetch = 0 : i64, scratch_operands = 0 : i64, tpu.core_type = #tpu.core_type<tc>, window_params = [{transform_indices = @transform_0, window_bounds = array<i64: 4000, 16>}, {transform_indices = @transform_1, window_bounds = array<i64: 4000, 4>}, {pipeline_mode = #tpu.pipeline_mode<synchronous>, transform_indices = @transform_2, window_bounds = array<i64: 16, 64>}, {pipeline_mode = #tpu.pipeline_mode<synchronous>, transform_indices = @transform_3, window_bounds = array<i64: 64, 512>}, {transform_indices = @transform_4, window_bounds = array<i64: 4000, 128>}]} {
    %get3A = arith.constant 0 : index
    %get3A_0 = arith.constant 0 : index
    %get3A_1 = vector.load %arg1[%get3A, %get3A_0] : memref<4000x16xf32, #tpu.memory_space<vmem>>, vector<4000x16xf32>
    %get3A_2 = arith.constant 0 : index
    %get3A_3 = arith.constant 0 : index
    %get3A_4 = vector.load %arg3[%get3A_2, %get3A_3] : memref<16x64xf32, #tpu.memory_space<vmem>>, vector<16x64xf32>
    %dot_general3A = arith.constant dense<0.000000e+00> : vector<4000x64xf32>
    %dot_general3A_5 = tpu.matmul %get3A_1, %get3A_4, %dot_general3A {dimension_numbers = #tpu.dot_dimension_numbers<[1], [0], [0], [1], [0, 0, 1, 1], [], []>, transpose_lhs_hint = false} : vector<4000x16xf32>, vector<16x64xf32>, vector<4000x64xf32> -> vector<4000x64xf32>
    %logistic3A = arith.negf %dot_general3A_5 : vector<4000x64xf32>
    %logistic3A_6 = math.exp %logistic3A : vector<4000x64xf32>
    %logistic3A_7 = arith.constant 1.000000e+00 : f32
    %logistic3A_8 = vector.broadcast %logistic3A_7 : f32 to vector<4000x64xf32>
    %logistic3A_9 = arith.addf %logistic3A_8, %logistic3A_6 : vector<4000x64xf32>
    %logistic3A_10 = arith.divf %logistic3A_8, %logistic3A_9 : vector<4000x64xf32>
    %mul3A = arith.mulf %dot_general3A_5, %logistic3A_10 : vector<4000x64xf32>
    %get3A_11 = arith.constant 0 : index
    %get3A_12 = arith.constant 0 : index
    %get3A_13 = vector.load %arg4[%get3A_11, %get3A_12] : memref<64x512xf32, #tpu.memory_space<vmem>>, vector<64x512xf32>
    %dot_general3A_14 = arith.constant dense<0.000000e+00> : vector<4000x512xf32>
    %dot_general3A_15 = tpu.matmul %mul3A, %get3A_13, %dot_general3A_14 {dimension_numbers = #tpu.dot_dimension_numbers<[1], [0], [0], [1], [0, 0, 1, 1], [], []>, transpose_lhs_hint = false} : vector<4000x64xf32>, vector<64x512xf32>, vector<4000x512xf32> -> vector<4000x512xf32>
    %get3A_16 = arith.constant 0 : index
    %get3A_17 = arith.constant 0 : index
    %get3A_18 = vector.load %arg2[%get3A_16, %get3A_17] : memref<4000x4xf32, #tpu.memory_space<vmem>>, vector<4000x4xf32>
    %slice3A = vector.extract_strided_slice %get3A_18 {offsets = [0, 0], sizes = [4000, 1], strides = [1, 1]} : vector<4000x4xf32> to vector<4000x1xf32>
    %slice3A_19 = vector.extract_strided_slice %dot_general3A_15 {offsets = [0, 0], sizes = [4000, 128], strides = [1, 1]} : vector<4000x512xf32> to vector<4000x128xf32>
    %mul3A_20 = vector.broadcast %slice3A : vector<4000x1xf32> to vector<4000x128xf32>
    %mul3A_21 = arith.mulf %mul3A_20, %slice3A_19 : vector<4000x128xf32>
    %slice3A_22 = vector.extract_strided_slice %get3A_18 {offsets = [0, 1], sizes = [4000, 1], strides = [1, 1]} : vector<4000x4xf32> to vector<4000x1xf32>
    %slice3A_23 = vector.extract_strided_slice %dot_general3A_15 {offsets = [0, 128], sizes = [4000, 128], strides = [1, 1]} : vector<4000x512xf32> to vector<4000x128xf32>
    %mul3A_24 = vector.broadcast %slice3A_22 : vector<4000x1xf32> to vector<4000x128xf32>
    %mul3A_25 = arith.mulf %mul3A_24, %slice3A_23 : vector<4000x128xf32>
    %add3A = arith.addf %mul3A_21, %mul3A_25 : vector<4000x128xf32>
    %slice3A_26 = vector.extract_strided_slice %get3A_18 {offsets = [0, 2], sizes = [4000, 1], strides = [1, 1]} : vector<4000x4xf32> to vector<4000x1xf32>
    %slice3A_27 = vector.extract_strided_slice %dot_general3A_15 {offsets = [0, 256], sizes = [4000, 128], strides = [1, 1]} : vector<4000x512xf32> to vector<4000x128xf32>
    %mul3A_28 = vector.broadcast %slice3A_26 : vector<4000x1xf32> to vector<4000x128xf32>
    %mul3A_29 = arith.mulf %mul3A_28, %slice3A_27 : vector<4000x128xf32>
    %add3A_30 = arith.addf %add3A, %mul3A_29 : vector<4000x128xf32>
    %slice3A_31 = vector.extract_strided_slice %get3A_18 {offsets = [0, 3], sizes = [4000, 1], strides = [1, 1]} : vector<4000x4xf32> to vector<4000x1xf32>
    %slice3A_32 = vector.extract_strided_slice %dot_general3A_15 {offsets = [0, 384], sizes = [4000, 128], strides = [1, 1]} : vector<4000x512xf32> to vector<4000x128xf32>
    %mul3A_33 = vector.broadcast %slice3A_31 : vector<4000x1xf32> to vector<4000x128xf32>
    %mul3A_34 = arith.mulf %mul3A_33, %slice3A_32 : vector<4000x128xf32>
    %add3A_35 = arith.addf %add3A_30, %mul3A_34 : vector<4000x128xf32>
    %swap3A = arith.constant 0 : index
    %swap3A_36 = arith.constant 0 : index
    %swap3A_37 = vector.load %arg5[%swap3A, %swap3A_36] : memref<4000x128xf32, #tpu.memory_space<vmem>>, vector<4000x128xf32>
    tpu.vector_store %arg5[%swap3A, %swap3A_36], %add3A_35 {strides = array<i32>} : memref<4000x128xf32, #tpu.memory_space<vmem>>, vector<4000x128xf32>,
    return
  }
  func.func @transform_0(%arg0: i32) -> (i32, i32) {
    %c0_i32 = arith.constant 0 : i32
    %c0_i32_0 = arith.constant 0 : i32
    return %arg0, %c0_i32 : i32, i32
  }
  func.func @transform_1(%arg0: i32) -> (i32, i32) {
    %c0_i32 = arith.constant 0 : i32
    %c0_i32_0 = arith.constant 0 : i32
    return %arg0, %c0_i32 : i32, i32
  }
  func.func @transform_2(%arg0: i32) -> (i32, i32) {
    %c0_i32 = arith.constant 0 : i32
    %c0_i32_0 = arith.constant 0 : i32
    %c0_i32_1 = arith.constant 0 : i32
    return %c0_i32, %c0_i32_0 : i32, i32
  }
  func.func @transform_3(%arg0: i32) -> (i32, i32) {
    %c0_i32 = arith.constant 0 : i32
    %c0_i32_0 = arith.constant 0 : i32
    %c0_i32_1 = arith.constant 0 : i32
    return %c0_i32, %c0_i32_0 : i32, i32
  }
  func.func @transform_4(%arg0: i32) -> (i32, i32) {
    %c0_i32 = arith.constant 0 : i32
    %c0_i32_0 = arith.constant 0 : i32
    return %arg0, %c0_i32 : i32, i32
  }
}

module attributes {stable_mosaic.version = 14 : i64} {
  func.func @_tc_edge_b_body(%arg0: i32, %arg1: memref<4000x128xf32, #tpu.memory_space<vmem>>, %arg2: memref<4000x16xf32, #tpu.memory_space<vmem>>, %arg3: memref<4000x16xf32, #tpu.memory_space<vmem>>, %arg4: memref<128x16xf32, #tpu.memory_space<vmem>>, %arg5: memref<4000x16xf32, #tpu.memory_space<vmem>>, %arg6: memref<4000x4xf32, #tpu.memory_space<vmem>>) attributes {dimension_semantics = [#tpu.dimension_semantics<arbitrary>], iteration_bounds = array<i64: 40>, scalar_prefetch = 0 : i64, scratch_operands = 0 : i64, tpu.core_type = #tpu.core_type<tc>, window_params = [{transform_indices = @transform_0, window_bounds = array<i64: 4000, 128>}, {transform_indices = @transform_1, window_bounds = array<i64: 4000, 16>}, {transform_indices = @transform_2, window_bounds = array<i64: 4000, 16>}, {pipeline_mode = #tpu.pipeline_mode<synchronous>, transform_indices = @transform_3, window_bounds = array<i64: 128, 16>}, {transform_indices = @transform_4, window_bounds = array<i64: 4000, 16>}, {transform_indices = @transform_5, window_bounds = array<i64: 4000, 4>}]} {
    %get3A = arith.constant 0 : index
    %get3A_0 = arith.constant 0 : index
    %get3A_1 = vector.load %arg2[%get3A, %get3A_0] : memref<4000x16xf32, #tpu.memory_space<vmem>>, vector<4000x16xf32>
    %get3A_2 = arith.constant 0 : index
    %get3A_3 = arith.constant 0 : index
    %get3A_4 = vector.load %arg3[%get3A_2, %get3A_3] : memref<4000x16xf32, #tpu.memory_space<vmem>>, vector<4000x16xf32>
    %concatenate3A = tpu.concatenate %get3A_1, %get3A_4 in 1 : vector<4000x16xf32>, vector<4000x16xf32> -> vector<4000x32xf32>
    %concatenate3A_5 = tpu.concatenate %concatenate3A, %concatenate3A, %concatenate3A, %concatenate3A in 1 : vector<4000x32xf32>, vector<4000x32xf32>, vector<4000x32xf32>, vector<4000x32xf32> -> vector<4000x128xf32>
    %get3A_6 = arith.constant 0 : index
    %get3A_7 = arith.constant 0 : index
    %get3A_8 = vector.load %arg1[%get3A_6, %get3A_7] : memref<4000x128xf32, #tpu.memory_space<vmem>>, vector<4000x128xf32>
    %mul3A = arith.mulf %get3A_8, %concatenate3A_5 : vector<4000x128xf32>
    %get3A_9 = arith.constant 0 : index
    %get3A_10 = arith.constant 0 : index
    %get3A_11 = vector.load %arg4[%get3A_9, %get3A_10] : memref<128x16xf32, #tpu.memory_space<vmem>>, vector<128x16xf32>
    %dot_general3A = arith.constant dense<0.000000e+00> : vector<4000x16xf32>
    %dot_general3A_12 = tpu.matmul %mul3A, %get3A_11, %dot_general3A {dimension_numbers = #tpu.dot_dimension_numbers<[1], [0], [0], [1], [0, 0, 1, 1], [], []>, transpose_lhs_hint = false} : vector<4000x128xf32>, vector<128x16xf32>, vector<4000x16xf32> -> vector<4000x16xf32>
    %swap3A = arith.constant 0 : index
    %swap3A_13 = arith.constant 0 : index
    %swap3A_14 = vector.load %arg5[%swap3A, %swap3A_13] : memref<4000x16xf32, #tpu.memory_space<vmem>>, vector<4000x16xf32>
    tpu.vector_store %arg5[%swap3A, %swap3A_13], %dot_general3A_12 {strides = array<i32>} : memref<4000x16xf32, #tpu.memory_space<vmem>>, vector<4000x16xf32>,
    %slice3A = vector.extract_strided_slice %dot_general3A_12 {offsets = [0, 0], sizes = [4000, 4], strides = [1, 1]} : vector<4000x16xf32> to vector<4000x4xf32>
    %swap3A_15 = arith.constant 0 : index
    %swap3A_16 = arith.constant 0 : index
    %swap3A_17 = vector.load %arg6[%swap3A_15, %swap3A_16] : memref<4000x4xf32, #tpu.memory_space<vmem>>, vector<4000x4xf32>
    tpu.vector_store %arg6[%swap3A_15, %swap3A_16], %slice3A {strides = array<i32>} : memref<4000x4xf32, #tpu.memory_space<vmem>>, vector<4000x4xf32>,
    return
  }
  func.func @transform_0(%arg0: i32) -> (i32, i32) {
    %c0_i32 = arith.constant 0 : i32
    %c0_i32_0 = arith.constant 0 : i32
    return %arg0, %c0_i32 : i32, i32
  }
  func.func @transform_1(%arg0: i32) -> (i32, i32) {
    %c0_i32 = arith.constant 0 : i32
    %c0_i32_0 = arith.constant 0 : i32
    return %arg0, %c0_i32 : i32, i32
  }
  func.func @transform_2(%arg0: i32) -> (i32, i32) {
    %c0_i32 = arith.constant 0 : i32
    %c0_i32_0 = arith.constant 0 : i32
    return %arg0, %c0_i32 : i32, i32
  }
  func.func @transform_3(%arg0: i32) -> (i32, i32) {
    %c0_i32 = arith.constant 0 : i32
    %c0_i32_0 = arith.constant 0 : i32
    %c0_i32_1 = arith.constant 0 : i32
    return %c0_i32, %c0_i32_0 : i32, i32
  }
  func.func @transform_4(%arg0: i32) -> (i32, i32) {
    %c0_i32 = arith.constant 0 : i32
    %c0_i32_0 = arith.constant 0 : i32
    return %arg0, %c0_i32 : i32, i32
  }
  func.func @transform_5(%arg0: i32) -> (i32, i32) {
    %c0_i32 = arith.constant 0 : i32
    %c0_i32_0 = arith.constant 0 : i32
    return %arg0, %c0_i32 : i32, i32
  }
}

module attributes {stable_mosaic.version = 14 : i64} {
  func.func @_tc_node_body(%arg0: i32, %arg1: memref<2000x16xf32, #tpu.memory_space<vmem>>, %arg2: memref<2x2000x16xf32, #tpu.memory_space<vmem>>, %arg3: memref<4x16x16xf32, #tpu.memory_space<vmem>>, %arg4: memref<2000x16xf32, #tpu.memory_space<vmem>>) attributes {dimension_semantics = [#tpu.dimension_semantics<arbitrary>], iteration_bounds = array<i64: 5>, scalar_prefetch = 0 : i64, scratch_operands = 0 : i64, tpu.core_type = #tpu.core_type<tc>, window_params = [{transform_indices = @transform_0, window_bounds = array<i64: 2000, 16>}, {transform_indices = @transform_1, window_bounds = array<i64: 2, 2000, 16>}, {pipeline_mode = #tpu.pipeline_mode<synchronous>, transform_indices = @transform_2, window_bounds = array<i64: 4, 16, 16>}, {transform_indices = @transform_3, window_bounds = array<i64: 2000, 16>}]} {
    %get3A = arith.constant 0 : index
    %get3A_0 = arith.constant 0 : index
    %get3A_1 = arith.constant 0 : index
    %get3A_2 = vector.load %arg2[%get3A, %get3A_0, %get3A_1] : memref<2x2000x16xf32, #tpu.memory_space<vmem>>, vector<1x2000x16xf32>
    %get3A_3 = vector.shape_cast %get3A_2 : vector<1x2000x16xf32> to vector<2000x16xf32>
    %get3A_4 = arith.constant 1 : index
    %get3A_5 = arith.constant 0 : index
    %get3A_6 = arith.constant 0 : index
    %get3A_7 = vector.load %arg2[%get3A_4, %get3A_5, %get3A_6] : memref<2x2000x16xf32, #tpu.memory_space<vmem>>, vector<1x2000x16xf32>
    %get3A_8 = vector.shape_cast %get3A_7 : vector<1x2000x16xf32> to vector<2000x16xf32>
    %add3A = arith.addf %get3A_3, %get3A_8 : vector<2000x16xf32>
    %slice3A = vector.extract_strided_slice %add3A {offsets = [0, 0], sizes = [2000, 4], strides = [1, 1]} : vector<2000x16xf32> to vector<2000x4xf32>
    %get3A_9 = arith.constant 0 : index
    %get3A_10 = arith.constant 0 : index
    %get3A_11 = vector.load %arg1[%get3A_9, %get3A_10] : memref<2000x16xf32, #tpu.memory_space<vmem>>, vector<2000x16xf32>
    %get3A_12 = arith.constant 0 : index
    %get3A_13 = arith.constant 0 : index
    %get3A_14 = arith.constant 0 : index
    %get3A_15 = vector.load %arg3[%get3A_12, %get3A_13, %get3A_14] : memref<4x16x16xf32, #tpu.memory_space<vmem>>, vector<1x16x16xf32>
    %get3A_16 = vector.shape_cast %get3A_15 : vector<1x16x16xf32> to vector<16x16xf32>
    %dot_general3A = arith.constant dense<0.000000e+00> : vector<2000x16xf32>
    %dot_general3A_17 = tpu.matmul %get3A_11, %get3A_16, %dot_general3A {dimension_numbers = #tpu.dot_dimension_numbers<[1], [0], [0], [1], [0, 0, 1, 1], [], []>, transpose_lhs_hint = false} : vector<2000x16xf32>, vector<16x16xf32>, vector<2000x16xf32> -> vector<2000x16xf32>
    %slice3A_18 = vector.extract_strided_slice %slice3A {offsets = [0, 0], sizes = [2000, 1], strides = [1, 1]} : vector<2000x4xf32> to vector<2000x1xf32>
    %mul3A = vector.broadcast %slice3A_18 : vector<2000x1xf32> to vector<2000x16xf32>
    %mul3A_19 = arith.mulf %dot_general3A_17, %mul3A : vector<2000x16xf32>
    %get3A_20 = arith.constant 1 : index
    %get3A_21 = arith.constant 0 : index
    %get3A_22 = arith.constant 0 : index
    %get3A_23 = vector.load %arg3[%get3A_20, %get3A_21, %get3A_22] : memref<4x16x16xf32, #tpu.memory_space<vmem>>, vector<1x16x16xf32>
    %get3A_24 = vector.shape_cast %get3A_23 : vector<1x16x16xf32> to vector<16x16xf32>
    %dot_general3A_25 = arith.constant dense<0.000000e+00> : vector<2000x16xf32>
    %dot_general3A_26 = tpu.matmul %get3A_11, %get3A_24, %dot_general3A_25 {dimension_numbers = #tpu.dot_dimension_numbers<[1], [0], [0], [1], [0, 0, 1, 1], [], []>, transpose_lhs_hint = false} : vector<2000x16xf32>, vector<16x16xf32>, vector<2000x16xf32> -> vector<2000x16xf32>
    %slice3A_27 = vector.extract_strided_slice %slice3A {offsets = [0, 1], sizes = [2000, 1], strides = [1, 1]} : vector<2000x4xf32> to vector<2000x1xf32>
    %mul3A_28 = vector.broadcast %slice3A_27 : vector<2000x1xf32> to vector<2000x16xf32>
    %mul3A_29 = arith.mulf %dot_general3A_26, %mul3A_28 : vector<2000x16xf32>
    %add3A_30 = arith.addf %mul3A_19, %mul3A_29 : vector<2000x16xf32>
    %get3A_31 = arith.constant 2 : index
    %get3A_32 = arith.constant 0 : index
    %get3A_33 = arith.constant 0 : index
    %get3A_34 = vector.load %arg3[%get3A_31, %get3A_32, %get3A_33] : memref<4x16x16xf32, #tpu.memory_space<vmem>>, vector<1x16x16xf32>
    %get3A_35 = vector.shape_cast %get3A_34 : vector<1x16x16xf32> to vector<16x16xf32>
    %dot_general3A_36 = arith.constant dense<0.000000e+00> : vector<2000x16xf32>
    %dot_general3A_37 = tpu.matmul %get3A_11, %get3A_35, %dot_general3A_36 {dimension_numbers = #tpu.dot_dimension_numbers<[1], [0], [0], [1], [0, 0, 1, 1], [], []>, transpose_lhs_hint = false} : vector<2000x16xf32>, vector<16x16xf32>, vector<2000x16xf32> -> vector<2000x16xf32>
    %slice3A_38 = vector.extract_strided_slice %slice3A {offsets = [0, 2], sizes = [2000, 1], strides = [1, 1]} : vector<2000x4xf32> to vector<2000x1xf32>
    %mul3A_39 = vector.broadcast %slice3A_38 : vector<2000x1xf32> to vector<2000x16xf32>
    %mul3A_40 = arith.mulf %dot_general3A_37, %mul3A_39 : vector<2000x16xf32>
    %add3A_41 = arith.addf %add3A_30, %mul3A_40 : vector<2000x16xf32>
    %get3A_42 = arith.constant 3 : index
    %get3A_43 = arith.constant 0 : index
    %get3A_44 = arith.constant 0 : index
    %get3A_45 = vector.load %arg3[%get3A_42, %get3A_43, %get3A_44] : memref<4x16x16xf32, #tpu.memory_space<vmem>>, vector<1x16x16xf32>
    %get3A_46 = vector.shape_cast %get3A_45 : vector<1x16x16xf32> to vector<16x16xf32>
    %dot_general3A_47 = arith.constant dense<0.000000e+00> : vector<2000x16xf32>
    %dot_general3A_48 = tpu.matmul %get3A_11, %get3A_46, %dot_general3A_47 {dimension_numbers = #tpu.dot_dimension_numbers<[1], [0], [0], [1], [0, 0, 1, 1], [], []>, transpose_lhs_hint = false} : vector<2000x16xf32>, vector<16x16xf32>, vector<2000x16xf32> -> vector<2000x16xf32>
    %slice3A_49 = vector.extract_strided_slice %slice3A {offsets = [0, 3], sizes = [2000, 1], strides = [1, 1]} : vector<2000x4xf32> to vector<2000x1xf32>
    %mul3A_50 = vector.broadcast %slice3A_49 : vector<2000x1xf32> to vector<2000x16xf32>
    %mul3A_51 = arith.mulf %dot_general3A_48, %mul3A_50 : vector<2000x16xf32>
    %add3A_52 = arith.addf %add3A_41, %mul3A_51 : vector<2000x16xf32>
    %swap3A = arith.constant 0 : index
    %swap3A_53 = arith.constant 0 : index
    %swap3A_54 = vector.load %arg4[%swap3A, %swap3A_53] : memref<2000x16xf32, #tpu.memory_space<vmem>>, vector<2000x16xf32>
    tpu.vector_store %arg4[%swap3A, %swap3A_53], %add3A_52 {strides = array<i32>} : memref<2000x16xf32, #tpu.memory_space<vmem>>, vector<2000x16xf32>,
    return
  }
  func.func @transform_0(%arg0: i32) -> (i32, i32) {
    %c0_i32 = arith.constant 0 : i32
    %c0_i32_0 = arith.constant 0 : i32
    return %arg0, %c0_i32 : i32, i32
  }
  func.func @transform_1(%arg0: i32) -> (i32, i32, i32) {
    %c0_i32 = arith.constant 0 : i32
    %c0_i32_0 = arith.constant 0 : i32
    %c0_i32_1 = arith.constant 0 : i32
    return %c0_i32, %arg0, %c0_i32_0 : i32, i32, i32
  }
  func.func @transform_2(%arg0: i32) -> (i32, i32, i32) {
    %c0_i32 = arith.constant 0 : i32
    %c0_i32_0 = arith.constant 0 : i32
    %c0_i32_1 = arith.constant 0 : i32
    %c0_i32_2 = arith.constant 0 : i32
    return %c0_i32, %c0_i32_0, %c0_i32_1 : i32, i32, i32
  }
  func.func @transform_3(%arg0: i32) -> (i32, i32) {
    %c0_i32 = arith.constant 0 : i32
    %c0_i32_0 = arith.constant 0 : i32
    return %arg0, %c0_i32 : i32, i32
  }
}

</mosaic_0001>

<sc_bundles>
// kernel: kernel.10.cloned.1.call-start
scs
__scs_entry_jumppad:
0x0: {  	(pc) =	sbr.rel $0x88, $3  }
0x1: {  	(tag) =	ssettag $0x0;
	lr =	simm.s32 $0x1  }
0x2: {  	[smem:$0x3F9A] =	sst lr;
	_ =	strace $0xD0000000  }
0x3: {  	_ = 	snop  }
0x4: {  	_ = 	snop  }
0x5: {  	_ = 	snop  }
0x6: {  	_ = 	snop  }
0x7: {  	_ = 	snop  }
__scs_overlays_trampoline_lowered:
0x8: {  	[smem:$0x3FA9] =	sst s0  }
0x9: {  	[smem:$0x3FAA] =	sst s1  }
0xa: {  	[smem:$0x3FAB] =	sst s2  }
0xb: {  	[smem:$0x3FAC] =	sst s3  }
0xc: {  	[smem:$0x3FAD] =	sst s4  }
0xd: {  	[smem:$0x3FAE] =	sst s5  }
0xe: {  	[smem:$0x3FAF] =	sst s6  }
0xf: {  	[smem:$0x3FB0] =	sst s7  }
0x10: {  	[smem:$0x3FB1] =	sst s8  }
0x11: {  	[smem:$0x3FB2] =	sst s9;
	s0 =	simm.s32 @!p0 $0x0  }
0x12: {  	s1 =	sld [smem:$0x3F98];
	s0 =	simm.s32 @p0 $0x1  }
0x13: {  	[smem:$0x3FB3] =	sst s0;
	s0 =	simm.s32 @!p1 $0x0  }
0x14: {  	s2 =	sld [smem:$0x3F97];
	s0 =	simm.s32 @p1 $0x1  }
0x15: {  	[smem:$0x3FB4] =	sst s0;
	s0 =	simm.s32 @!p2 $0x0  }
0x16: {  	s3 =	sld [smem:$0x3FDB];
	s0 =	simm.s32 @p2 $0x1  }
0x17: {  	s4 =	simm.s32 $0x1BF5;
	[smem:$0x3FB6] =	sst s0  }
0x18: {  	s0 =	sld [smem:$0x3F99];
	_ =	swait.ge [sflag:s4], $0x0  }
0x19: {  	s7 =	sld [smem:$0x3F9A]  }
0x1a: {  	s8 =	sadd.s32 $0xFFFFE003, lr  }
0x1b: {  	s9 =	sadd.s32 $0xFFFFFEF7, lr;
	s5 =	simm.s32 $0xFFFFFFFF;
	p2 =	slt.u32 s8, $0xFFFFF086  }
0x1c: {  	p1 =	slt.u32 s9, $0xF7A;
	s5 =	simm.s32 @!p2 $0x0  }
0x1d: {  	s5 =	simm.s32 @p1 $0x1;
	p0 =	seq.s32 s7, s2  }
0x1e: {  	s7 =	smul.u32 @!p0 $0xF7A, s2;
	p2 =	seq.s32 @!p0 s5, $0x0  }
0x1f: {  	s9 =	smul.u32 $0xF7A, s1;
	s8 =	simm.s32 @!p0 $0x1BF5;
	p2 =	por !p2, p0  }
0x20: {  	[sflag:s8] =	ssyncset.s32 @!p0 $0xFFFFF086;
	s6 =	sadd.s32 @!p0 s3, s7;
	s7 =	simm.s32 @!p0 $0x108  }
0x21: {  	s3 =	sadd.s32 s3, s9;
	s6 =	sadd.s32 @!p0 $0x88, s6;
	s7 =	simm.s32 @p2 $0x1082  }
0x22: {  	[simem:s7], [sflag:s8] =	dma.local @!p0 [hbm:s6], $0xF7A  }
0x23: {  	s9 =	sor.u32 $0xD0000000, s2;
	s6 =	simm.s32 $0x108;
	_ =	swait.ge @!p0 [sflag:s8], $0x0  }
0x24: {  	s3 =	sadd.s32 $0x88, s3;
	s6 =	simm.s32 @!p1 $0x1082;
	[sflag:s4] =	ssyncset.s32 $0xFFFFF086  }
0x25: {  	[simem:s6], [sflag:s4] =	dma.local [hbm:s3], $0xF7A  }
0x26: {  	[smem:$0x3F9A] =	sst s1;
	(tag) =	ssettag s2;
	_ =	strace s9  }
0x27: {  	s1 =	sld [smem:$0x3FAA]  }
0x28: {  	s2 =	sld [smem:$0x3FAB]  }
0x29: {  	s4 =	sld [smem:$0x3FAD]  }
0x2a: {  	p0 =	seq.s32 s5, $0x0;
	s5 =	sld [smem:$0x3FAE]  }
0x2b: {  	s6 =	sld [smem:$0x3FAF]  }
0x2c: {  	s7 =	sld [smem:$0x3FB0]  }
0x2d: {  	s3 =	simm.s32 $0x108;
	s8 =	sld [smem:$0x3FB1]  }
0x2e: {  	s3 =	simm.s32 @!p0 $0x1082;
	s9 =	sld [smem:$0x3FB2]  }
0x2f: {  	lr =	sadd.s32 s0, s3;
	s0 =	sld [smem:$0x3FA9]  }
0x30: {  	s3 =	sld [smem:$0x3FAC]  }
0x31: {  	[smem:$0x3FB5] =	sst s10  }
0x32: {  	s10 =	sld [smem:$0x3FB3];
	_ =	sdelay $0x3  }
0x33: {  	p0 =	seq.s32 s10, $0x1;
	s10 =	sld [smem:$0x3FB5];
	_ =	sdelay $0x3  }
0x34: {  	[smem:$0x3FB5] =	sst s10  }
0x35: {  	s10 =	sld [smem:$0x3FB4];
	_ =	sdelay $0x3  }
0x36: {  	p1 =	seq.s32 s10, $0x1;
	s10 =	sld [smem:$0x3FB5];
	_ =	sdelay $0x3  }
0x37: {  	[smem:$0x3FB5] =	sst s10  }
0x38: {  	s10 =	sld [smem:$0x3FB6]  }
0x39: {  	_ = 	snop;
	(pc) =	sbr.ind lr, $3  }
0x3a: {  	_ = 	snop  }
0x3b: {  	_ = 	snop  }
0x3c: {  	p2 =	seq.s32 s10, $0x1;
	s10 =	sld [smem:$0x3FB5]  }
0x3d: {  	_ =	shalt  }
0x3e: {  	_ =	shalt  }
0x3f: {  	_ =	shalt  }
0x40: {  	_ =	shalt  }
0x41: {  	_ =	shalt  }
0x42: {  	_ =	shalt  }
0x43: {  	_ =	shalt  }
0x44: {  	_ =	shalt  }
0x45: {  	_ =	shalt  }
0x46: {  	_ =	shalt  }
0x47: {  	_ =	shalt  }
0x48: {  	_ =	shalt  }
0x49: {  	_ =	shalt  }
0x4a: {  	_ =	shalt  }
0x4b: {  	_ =	shalt  }
0x4c: {  	_ =	shalt  }
0x4d: {  	_ =	shalt  }
0x4e: {  	_ =	shalt  }
0x4f: {  	_ =	shalt  }
0x50: {  	_ =	shalt  }
0x51: {  	_ =	shalt  }
0x52: {  	_ =	shalt  }
0x53: {  	_ =	shalt  }
0x54: {  	_ =	shalt  }
0x55: {  	_ =	shalt  }
0x56: {  	_ =	shalt  }
0x57: {  	_ =	shalt  }
0x58: {  	_ =	shalt  }
0x59: {  	_ =	shalt  }
0x5a: {  	_ =	shalt  }
0x5b: {  	_ =	shalt  }
0x5c: {  	_ =	shalt  }
0x5d: {  	_ =	shalt  }
0x5e: {  	_ =	shalt  }
0x5f: {  	_ =	shalt  }
0x60: {  	_ =	shalt  }
0x61: {  	_ =	shalt  }
0x62: {  	_ =	shalt  }
0x63: {  	_ =	shalt  }
0x64: {  	_ =	shalt  }
0x65: {  	_ =	shalt  }
0x66: {  	_ =	shalt  }
0x67: {  	_ =	shalt  }
0x68: {  	_ =	shalt  }
0x69: {  	_ =	shalt  }
0x6a: {  	_ =	shalt  }
0x6b: {  	_ =	shalt  }
0x6c: {  	_ =	shalt  }
0x6d: {  	_ =	shalt  }
0x6e: {  	_ =	shalt  }
0x6f: {  	_ =	shalt  }
0x70: {  	_ =	shalt  }
0x71: {  	_ =	shalt  }
0x72: {  	_ =	shalt  }
0x73: {  	_ =	shalt  }
0x74: {  	_ =	shalt  }
0x75: {  	_ =	shalt  }
0x76: {  	_ =	shalt  }
0x77: {  	_ =	shalt  }
0x78: {  	_ =	shalt  }
0x79: {  	_ =	shalt  }
0x7a: {  	_ =	shalt  }
0x7b: {  	_ =	shalt  }
0x7c: {  	_ =	shalt  }
0x7d: {  	_ =	shalt  }
0x7e: {  	_ =	shalt  }
0x7f: {  	_ =	shalt  }
0x80: {  	_ =	shalt  }
0x81: {  	_ =	shalt  }
0x82: {  	_ =	shalt  }
0x83: {  	_ =	shalt  }
0x84: {  	_ =	shalt  }
0x85: {  	_ =	shalt  }
0x86: {  	_ =	shalt  }
0x87: {  	_ =	shalt  }
.Lfunc_end0:
.L_simem_size_0:
called_computation.1_lowered:
.L_overlay_start_0:
0x88: {  	s2 =	sld [smem:$0x3FD9]  }
0x89: {  	s3 =	sld [smem:$0x3FFE];
	_ =	sdelay $0x1  }
0x8a: {  	s1 =	srdreg.scid  }
0x8b: {  	s0 =	sand.u32 $0x1, s1  }
0x8c: {  	s14 =	sshll.u32 s0, $0xA;
	s2 =	sadd.s32 s3, s2  }
0x8d: {  	s2 =	sadd.s32 s2, s14  }
0x8e: {  	[smem:$0x3FC1] =	sst s2  }
0x8f: {  	_ = 	snop  }
0x90: {  	s2 =	sld [smem:$0x3FD0];
	_ =	sdelay $0x2  }
0x91: {  	s15 =	simm.s32 $0xA;
	s4 =	simm.s32 $0x10  }
0x92: {  	[smem:s4], [sflag:s15] =	dma.local [hbm:s2], $0x1  }
0x93: {  	_ =	swait.eq [sflag:s15], $0x1  }
0x94: {  	[sflag:s15] =	ssyncset.done $0x0  }
0x95: {  	[sflag:s15] =	ssyncadd.s32 $0xFFFFFFFF  }
0x96: {  	s16 =	sld [smem:$0x10];
	(tm) =	ssettm $0x1  }
0x97: {  	s17 =	sld [smem:$0x3FFB];
	_ =	sdelay $0x3  }
0x98: {  	_ =	strace s17  }
0x99: {  	s3 =	sld [smem:$0x3FFC];
	_ =	sdelay $0x3  }
0x9a: {  	_ =	strace s3  }
0x9b: {  	s3 =	sld [smem:$0x3FFD];
	_ =	sdelay $0x3  }
0x9c: {  	_ =	strace s3  }
0x9d: {  	_ =	strace $0x8FFFFFFF  }
0x9e: {  	s18 =	sld [smem:$0x3FDB];
	_ =	sdelay $0x1  }
0x9f: {  	s19 =	simm.s32 $_scs_section_size  }
0xa0: {  	s5 =	simm.s32 $_size__tile_overlayer_lowered;
	s6 =	simm.s32 $_tile_overlayer_lowered  }
0xa1: {  	s22 =	simm.s32 $0x1BFF;
	s21 =	sshll.u32 s6, $0x1;
	s3 =	sadd.s32 s19, s18  }
0xa2: {  	s7 =	simm.s32 $0x0;
	s20 =	sshll.u32 s5, $0x1;
	s5 =	sadd.s32 s21, s3  }
0xa3: {  	[timem:s7], [sflag:s22] =	dma.local [hbm:s5], s20  }
0xa4: {  	_ =	swait.ge [sflag:s22], s20  }
0xa5: {  	s4 =	ssub.s32 $0x0, s20;
	[sflag:s22] =	ssyncset.done $0x0  }
0xa6: {  	[sflag:s22] =	ssyncadd.s32 s4;
	_ =	sdelay $0x1  }
0xa7: {  	s23 =	simm.s32 $0x1B8B  }
0xa8: {  	_ =	swait.ge [sflag:s23], $0x1  }
0xa9: {  	[sflag:s23] =	ssyncset.done $0x0  }
0xaa: {  	s25 =	simm.s32 $0x1B8E;
	s24 =	sld [smem:$0x3FFE];
	[sflag:s23] =	ssyncadd.s32 $0xFFFFFFFF  }
0xab: {  	s26 =	simm.s32 $execute0_lowered;
	[smem:$0x3FD2] =	sst s25  }
0xac: {  	s5 =	sshll.u32 s26, $0x1;
	_ =	strace $0x80000049;
	[dreg:$0x1] =	wrdreg $0xFFFFFFFF  }
0xad: {  	s28 =	simm.s32 $_size_execute0_lowered;
	s3 =	sadd.s32 s3, s5;
	[dreg:$0x0] =	wrdreg $0x0  }
0xae: {  	s5 =	sshll.u32 s28, $0x1;
	[dreg:$0x2] =	wrdreg s3  }
0xaf: {  	[dreg:$0x3] =	wrdreg s5  }
0xb0: {  	[dreg:$0x4] =	wrdreg $0xC0  }
0xb1: {  	_ =	task [dreg:s7], $0x5FFFF  }
0xb2: {  	[dreg:$0x1] =	wrdreg $0xFFFFFFFF  }
0xb3: {  	[dreg:$0x0] =	wrdreg $0x60  }
0xb4: {  	[dreg:$0x2] =	wrdreg s24  }
0xb5: {  	[dreg:$0x3] =	wrdreg s16  }
0xb6: {  	[dreg:$0x4] =	wrdreg $0x9080  }
0xb7: {  	[dreg:$0x5] =	wrdreg $0x9  }
0xb8: {  	_ =	task.clear_ibuf [dreg:s7], $0x6FFFF;
	_ =	strace $0x90000049  }
0xb9: {  	s29 =	simm.s32 $0x9;
	_ =	strace $0x8000004B  }
0xba: {  	_ =	swait.ge [sflag:s29], $0x1  }
0xbb: {  	[sflag:s29] =	ssyncadd.s32 $0xFFFFFFFF  }
0xbc: {  	_ =	strace $0x9000004B  }
0xbd: {  	_ =	sfence  }
0xbe: {  	s30 =	sld [smem:$0x0];
	_ =	sdelay $0x2  }
0xbf: {  	s31 =	sshll.u32 s1, $0xD;
	s1 =	sshrl.u32 s1, $0x2  }
0xc0: {  	s3 =	sand.u32 $0x4000, s31;
	s1 =	sadd.s32 s1, s30  }
0xc1: {  	s0 =	sor.u32 s3, s0;
	s1 =	sshll.u32 s1, $0x11  }
0xc2: {  	s0 =	sor.u32 s1, s0  }
0xc3: {  	s0 =	sadd.s32 $0x8F2B, s0  }
0xc4: {  	[sflag:s0] =	ssyncadd.remote.s32 $0x1  }
0xc5: {  	_ =	sfence.sel $0xFFFF  }
0xc6: {  	[dreg:$0x0] =	wrdreg $0xFFFFFFFF;
	(pc) =	sbr.abs _section_cstart, $3  }
0xc7: {  	[dreg:$0x1] =	wrdreg $0xFFFFFFFF  }
0xc8: {  	_ =	task.clear_ibuf [dreg:s7], $0x2FFFF;
	_ =	strace $0x9FFFFFFF  }
0xc9: {  	(tm) =	ssettm $0x7FFFFFFF  }
tec
execute0_lowered:
.L_overlay_start_1:
0x0: {  	(tag) =	ssettag $0x1  }
0x1: {  	s4 =	rddreg [dreg:$0x0]  }
0x2: {  	s1 =	rddreg [dreg:$0x1]  }
0x3: {  	s2 =	rddreg [dreg:$0x2];
	s3 =	srdreg.scid  }
0x4: {  	s0 =	rddreg [dreg:$0x3];
	s16 =	stileid.u32;
	s18 =	simm.s32 $0x0  }
0x5: {  	s7 =	sand.u32 $0x1, s3;
	s3 =	simm.s32 $0x0;
	s8 =	smul.u32 $0x3E80, s16  }
0x6: {  	s6 =	sshll.u32 s16, $0x1;
	s9 =	sadd.s32 $0x2E000, s4;
	s13 =	smul.u32 $0x4E20, s16  }
0x7: {  	s11 =	sadd.s32 $0x29000, s4;
	s14 =	smul.u32 $0x2710, s16;
	p0 =	sne.s32 s16, $0x0  }
0x8: {  	p1 =	sgt.u32 s16, $0x9;
	s5 =	smul.u32 $0x27100, s7;
	[smem:$0x7FF] =	sst s3  }
0x9: {  	s6 =	sor.u32 s7, s6;
	s10 =	ssub.s32 $0x2, s7;
	s15 =	smul.u32 $0x1388, s7  }
0xa: {  	s29 =	smul.u32 $0x2710, s7;
	s16 =	sshll.u32 @!p1 s16, $0x6;
	_ =	strace $0x8000004A  }
0xb: {  	s6 =	smul.u32 $0x1388, s6;
	s25 =	sshrl.u32 s10, $0x1;
	s17 =	sadd.s32 s8, s2  }
0xc: {  	s16 =	sor.u32 @!p1 $0x1C01, s16;
	s5 =	sadd.s32 s8, s5;
	s10 =	ssub.s32 s10, s25  }
0xd: {  	s30 =	sadd.s32 s15, s14;
	s14 =	simm.s32 $0x888;
	s15 =	simm.s32 $0x8  }
0xe: {  	s17 =	sshrl.u32 @!p1 s17, $0x3;
	s5 =	sshrl.u32 s5, $0x3;
	s26 =	sadd.s32 $0x1380, s6  }
0xf: {  	s7 =	smax.u32 s10, $0x1;
	s31 =	sshrl.u32 s30, $0x3;
	s10 =	sshrl.u32 @!p0 s2, $0x3  }
0x10: {  	s12 =	sadd.s32 s5, s4;
	s28 =	sshrl.u32 s26, $0x3;
	s6 =	sshll.u32 s26, $0x1  }
0x11: {  	s4 =	sadd.s32 s11, s28;
	s5 =	sadd.s32 s9, s6;
	s6 =	sadd.s32 $0x7C200, s12  }
0x12: {  	s9 =	sadd.s32 s13, s9;
	s12 =	simm.s32 $0x88;
	s13 =	simm.s32 $0x80  }
0x13: {  	s8 =	sadd.s32 s29, s9;
	s9 =	sadd.s32 s31, s11;
	s11 =	simm.s32 $0x1  }
.LBB2_1:
0x14: {  	s19 =	simm.s32 @!p0 $0x1C01  }
0x15: {  	[spmem:s10], [sflag:s19] =	dma.local @!p0 [hbm:s1], $0x4E20  }
0x16: {  	s19 =	simm.s32 @!p0 $0x1  }
0x17: {  	_ =	swait.ge @!p0 [sflag:s19], $0x4E20  }
0x18: {  	[sflag:s19] =	ssyncset.done @!p0 $0x0  }
0x19: {  	[sflag:s19] =	ssyncadd.s32 @!p0 $0xFFFFB1E0  }
0x1a: {  	s31 =	sadd.s32 $0x0, s9;
	[bflag:$0x0] =	sbarrier.arrive $0xFFFF  }
0x1b: {  	[tilespmem:s3], [sflag:$0x1] =	stream.linear.gather [hbm4b:s31+s3], $0x80, $0x38;
	[tilespmem:$0x3018] =	vst v63  }
0x1c: {  	_ =	swait.ge [sflag:s11], $0x80  }
0x1d: {  	[sflag:s11] =	ssyncset.done $0x0  }
0x1e: {  	[sflag:s11] =	ssyncadd.s32 $0xFFFFFF80  }
0x1f: {  	[tilespmem:s12], [sflag:$0x1] =	stream.linear.gather [hbm4b:s8+s3], $0x800, $0x38;
	[tilespmem:$0x3018] =	vst v63  }
0x20: {  	_ =	swait.ge [sflag:s11], $0x800  }
0x21: {  	[sflag:s11] =	ssyncset.done $0x0  }
0x22: {  	[sflag:s11] =	ssyncadd.s32 $0xFFFFF800  }
0x23: {  	[spmem:s2] =	stream.indirect.scatter.add.f32 [tilespmem:s12], [sflag:$0x1], $0x10, s3, s13, $0xb8;
	[tilespmem:$0x3018] =	vst v63  }
0x24: {  	s20 =	simm.s32 $0x10;
	_ =	swait.ge [sflag:s11], $0x800  }
0x25: {  	s21 =	simm.s32 $0x20;
	s19 =	sadd.s32 $0x100, s8;
	[sflag:s11] =	ssyncset.done $0x0  }
.LBB2_2:
0x26: {  	s22 =	sadd.s32 s20, s9  }
0x27: {  	[sflag:s11] =	ssyncadd.s32 $0xFFFFF800;
	s20 =	smov.u32 s21;
	s23 =	sadd.s32 $0x10, s21  }
0x28: {  	[tilespmem:s3], [sflag:$0x1] =	stream.linear.gather [hbm4b:s22+s3], $0x80, $0x38;
	[tilespmem:$0x3018] =	vst v63  }
0x29: {  	p2 =	sne.s32 s21, $0x260;
	_ =	swait.ge [sflag:s11], $0x80  }
0x2a: {  	[sflag:s11] =	ssyncset.done $0x0  }
0x2b: {  	[sflag:s11] =	ssyncadd.s32 $0xFFFFFF80  }
0x2c: {  	[tilespmem:s12], [sflag:$0x1] =	stream.linear.gather [hbm4b:s19+s3], $0x800, $0x38;
	[tilespmem:$0x3018] =	vst v63  }
0x2d: {  	_ =	swait.ge [sflag:s11], $0x800  }
.Ltmp0:
0x2e: {  	[sflag:s11] =	ssyncset.done $0x0;
	(pc) =	sbr.rel @p2 .LBB2_2-.Ltmp0, $4  }
0x2f: {  	[sflag:s11] =	ssyncadd.s32 $0xFFFFF800  }
0x30: {  	[spmem:s2] =	stream.indirect.scatter.add.f32 [tilespmem:s12], [sflag:$0x1], $0x10, s3, s13, $0xb8;
	[tilespmem:$0x3018] =	vst v63  }
0x31: {  	_ =	swait.ge [sflag:s11], $0x800  }
0x32: {  	s21 =	smov.u32 s23;
	s19 =	sadd.s32 $0x100, s19;
	[sflag:s11] =	ssyncset.done $0x0  }
0x33: {  	s20 =	sadd.s32 s20, s9;
	[sflag:s11] =	ssyncadd.s32 $0xFFFFF800  }
0x34: {  	[tilespmem:s3], [sflag:$0x1] =	stream.linear.gather [hbm4b:s20+s3], $0x80, $0x38;
	[tilespmem:$0x3018] =	vst v63  }
0x35: {  	_ =	swait.ge [sflag:s11], $0x80  }
0x36: {  	[sflag:s11] =	ssyncset.done $0x0  }
0x37: {  	[sflag:s11] =	ssyncadd.s32 $0xFFFFFF80  }
0x38: {  	[tilespmem:s12], [sflag:$0x1] =	stream.linear.gather [hbm4b:s19+s3], $0x800, $0x38;
	[tilespmem:$0x3018] =	vst v63  }
0x39: {  	_ =	swait.ge [sflag:s11], $0x800  }
0x3a: {  	[sflag:s11] =	ssyncset.done $0x0  }
0x3b: {  	[sflag:s11] =	ssyncadd.s32 $0xFFFFF800  }
0x3c: {  	[spmem:s2] =	stream.indirect.scatter.add.f32 [tilespmem:s12], [sflag:$0x1], $0x10, s3, s13, $0xb8;
	[tilespmem:$0x3018] =	vst v63  }
0x3d: {  	_ =	swait.ge [sflag:s11], $0x800  }
0x3e: {  	[sflag:s11] =	ssyncset.done $0x0  }
0x3f: {  	[sflag:s11] =	ssyncadd.s32 $0xFFFFF800  }
0x40: {  	[tilespmem:s13], [sflag:$0x1] =	stream.linear.gather [hbm4b:s4+s3], $0x8, $0x38;
	[tilespmem:$0x3018] =	vst v63  }
0x41: {  	_ =	swait.ge [sflag:s11], $0x8  }
0x42: {  	[sflag:s11] =	ssyncset.done $0x0  }
0x43: {  	[sflag:s11] =	ssyncadd.s32 $0xFFFFFFF8  }
0x44: {  	[tilespmem:s14], [sflag:$0x1] =	stream.linear.gather [hbm4b:s5+s3], $0x80, $0x38;
	[tilespmem:$0x3018] =	vst v63  }
0x45: {  	_ =	swait.ge [sflag:s11], $0x80  }
0x46: {  	[sflag:s11] =	ssyncset.done $0x0  }
0x47: {  	[sflag:s11] =	ssyncadd.s32 $0xFFFFFF80  }
0x48: {  	[spmem:s2] =	stream.indirect.scatter.add.f32 [tilespmem:s14], [sflag:$0x1], $0x10, s13, s15, $0xb8;
	[tilespmem:$0x3018] =	vst v63  }
0x49: {  	_ =	swait.ge [sflag:s11], $0x80  }
0x4a: {  	s18 =	sadd.s32 $0x1, s18;
	[sflag:s11] =	ssyncset.done $0x0  }
0x4b: {  	p2 =	sne.s32 s18, s7;
	[sflag:s11] =	ssyncadd.s32 $0xFFFFFF80  }
.Ltmp1:
0x4c: {  	s19 =	simm.s32 @!p1 $0x1;
	[bflag:$0x0] =	sbarrier.arrive $0xFFFF;
	(pc) =	sbr.rel @p2 .LBB2_1-.Ltmp1, $4  }
0x4d: {  	[hbm:s6], [sflag:s16] =	dma.local @!p1 [spmem:s17], $0x7D0  }
0x4e: {  	_ =	swait.ge @!p1 [sflag:s19], $0x7D0  }
0x4f: {  	[sflag:s19] =	ssyncset.done @!p1 $0x0  }
0x50: {  	[sflag:s19] =	ssyncadd.s32 @!p1 $0xFFFFF830  }
0x51: {  	_ =	sfence.sel $0x180000  }
0x52: {  	[bflag:$0x0] =	sbarrier.arrive $0xFFFF  }
0x53: {  	_ =	strace $0x9000004A  }
0x54: {  	s0 =	sadd.s32 @!p0 $0x100000, s0;
	[bflag:$0x2] =	sbarrier.arrive $0xFFFF  }
0x55: {  	[sflag:s0] =	ssyncadd.tile.s32 @!p0 $0x1;
	_ =	shalt  }
.Lfunc_end2:
_tile_overlayer_lowered:
.L_overlay_start_2:
0x56: {  	(tag) =	ssettag $0x2  }
0x57: {  	s0 =	rddreg [dreg:$0x0];
	s2 =	stileid.u32  }
0x58: {  	s1 =	rddreg [dreg:$0x1];
	p0 =	sne.s32 s2, $0x0  }
0x59: {  	s3 =	rddreg [dreg:$0x2];
	[bflag:$0x3] =	sbarrier.arrive $0xFFFF;
	s2 =	simm.s32 @!p0 $0x1C01  }
0x5a: {  	[timem:s3], [sflag:s2] =	dma.local @!p0 [hbm:s0], s1  }
0x5b: {  	s0 =	simm.s32 @!p0 $0x1  }
0x5c: {  	_ =	swait.ge @!p0 [sflag:s0], s1  }
0x5d: {  	s1 =	ssub.s32 @!p0 $0x0, s1;
	[sflag:s0] =	ssyncset.done @!p0 $0x0  }
0x5e: {  	[sflag:s0] =	ssyncadd.s32 @!p0 s1  }
0x5f: {  	[bflag:$0x3] =	sbarrier.arrive $0xFFFF  }
0x60: {  	_ =	shalt  }

// kernel: kernel.7.cloned.1.call-start
scs
__scs_entry_jumppad:
0x0: {  	(pc) =	sbr.rel $0x88, $3  }
0x1: {  	(tag) =	ssettag $0x0;
	lr =	simm.s32 $0x1  }
0x2: {  	[smem:$0x3F9A] =	sst lr;
	_ =	strace $0xD0000000  }
0x3: {  	_ = 	snop  }
0x4: {  	_ = 	snop  }
0x5: {  	_ = 	snop  }
0x6: {  	_ = 	snop  }
0x7: {  	_ = 	snop  }
__scs_overlays_trampoline_lowered:
0x8: {  	[smem:$0x3FA9] =	sst s0  }
0x9: {  	[smem:$0x3FAA] =	sst s1  }
0xa: {  	[smem:$0x3FAB] =	sst s2  }
0xb: {  	[smem:$0x3FAC] =	sst s3  }
0xc: {  	[smem:$0x3FAD] =	sst s4  }
0xd: {  	[smem:$0x3FAE] =	sst s5  }
0xe: {  	[smem:$0x3FAF] =	sst s6  }
0xf: {  	[smem:$0x3FB0] =	sst s7  }
0x10: {  	[smem:$0x3FB1] =	sst s8  }
0x11: {  	[smem:$0x3FB2] =	sst s9;
	s0 =	simm.s32 @!p0 $0x0  }
0x12: {  	s1 =	sld [smem:$0x3F98];
	s0 =	simm.s32 @p0 $0x1  }
0x13: {  	[smem:$0x3FB3] =	sst s0;
	s0 =	simm.s32 @!p1 $0x0  }
0x14: {  	s2 =	sld [smem:$0x3F97];
	s0 =	simm.s32 @p1 $0x1  }
0x15: {  	[smem:$0x3FB4] =	sst s0;
	s0 =	simm.s32 @!p2 $0x0  }
0x16: {  	s3 =	sld [smem:$0x3FDB];
	s0 =	simm.s32 @p2 $0x1  }
0x17: {  	s4 =	simm.s32 $0x1BF5;
	[smem:$0x3FB6] =	sst s0  }
0x18: {  	s0 =	sld [smem:$0x3F99];
	_ =	swait.ge [sflag:s4], $0x0  }
0x19: {  	s7 =	sld [smem:$0x3F9A]  }
0x1a: {  	s8 =	sadd.s32 $0xFFFFE003, lr  }
0x1b: {  	s9 =	sadd.s32 $0xFFFFFEF7, lr;
	s5 =	simm.s32 $0xFFFFFFFF;
	p2 =	slt.u32 s8, $0xFFFFF086  }
0x1c: {  	p1 =	slt.u32 s9, $0xF7A;
	s5 =	simm.s32 @!p2 $0x0  }
0x1d: {  	s5 =	simm.s32 @p1 $0x1;
	p0 =	seq.s32 s7, s2  }
0x1e: {  	s7 =	smul.u32 @!p0 $0xF7A, s2;
	p2 =	seq.s32 @!p0 s5, $0x0  }
0x1f: {  	s9 =	smul.u32 $0xF7A, s1;
	s8 =	simm.s32 @!p0 $0x1BF5;
	p2 =	por !p2, p0  }
0x20: {  	[sflag:s8] =	ssyncset.s32 @!p0 $0xFFFFF086;
	s6 =	sadd.s32 @!p0 s3, s7;
	s7 =	simm.s32 @!p0 $0x108  }
0x21: {  	s3 =	sadd.s32 s3, s9;
	s6 =	sadd.s32 @!p0 $0x88, s6;
	s7 =	simm.s32 @p2 $0x1082  }
0x22: {  	[simem:s7], [sflag:s8] =	dma.local @!p0 [hbm:s6], $0xF7A  }
0x23: {  	s9 =	sor.u32 $0xD0000000, s2;
	s6 =	simm.s32 $0x108;
	_ =	swait.ge @!p0 [sflag:s8], $0x0  }
0x24: {  	s3 =	sadd.s32 $0x88, s3;
	s6 =	simm.s32 @!p1 $0x1082;
	[sflag:s4] =	ssyncset.s32 $0xFFFFF086  }
0x25: {  	[simem:s6], [sflag:s4] =	dma.local [hbm:s3], $0xF7A  }
0x26: {  	[smem:$0x3F9A] =	sst s1;
	(tag) =	ssettag s2;
	_ =	strace s9  }
0x27: {  	s1 =	sld [smem:$0x3FAA]  }
0x28: {  	s2 =	sld [smem:$0x3FAB]  }
0x29: {  	s4 =	sld [smem:$0x3FAD]  }
0x2a: {  	p0 =	seq.s32 s5, $0x0;
	s5 =	sld [smem:$0x3FAE]  }
0x2b: {  	s6 =	sld [smem:$0x3FAF]  }
0x2c: {  	s7 =	sld [smem:$0x3FB0]  }
0x2d: {  	s3 =	simm.s32 $0x108;
	s8 =	sld [smem:$0x3FB1]  }
0x2e: {  	s3 =	simm.s32 @!p0 $0x1082;
	s9 =	sld [smem:$0x3FB2]  }
0x2f: {  	lr =	sadd.s32 s0, s3;
	s0 =	sld [smem:$0x3FA9]  }
0x30: {  	s3 =	sld [smem:$0x3FAC]  }
0x31: {  	[smem:$0x3FB5] =	sst s10  }
0x32: {  	s10 =	sld [smem:$0x3FB3];
	_ =	sdelay $0x3  }
0x33: {  	p0 =	seq.s32 s10, $0x1;
	s10 =	sld [smem:$0x3FB5];
	_ =	sdelay $0x3  }
0x34: {  	[smem:$0x3FB5] =	sst s10  }
0x35: {  	s10 =	sld [smem:$0x3FB4];
	_ =	sdelay $0x3  }
0x36: {  	p1 =	seq.s32 s10, $0x1;
	s10 =	sld [smem:$0x3FB5];
	_ =	sdelay $0x3  }
0x37: {  	[smem:$0x3FB5] =	sst s10  }
0x38: {  	s10 =	sld [smem:$0x3FB6]  }
0x39: {  	_ = 	snop;
	(pc) =	sbr.ind lr, $3  }
0x3a: {  	_ = 	snop  }
0x3b: {  	_ = 	snop  }
0x3c: {  	p2 =	seq.s32 s10, $0x1;
	s10 =	sld [smem:$0x3FB5]  }
0x3d: {  	_ =	shalt  }
0x3e: {  	_ =	shalt  }
0x3f: {  	_ =	shalt  }
0x40: {  	_ =	shalt  }
0x41: {  	_ =	shalt  }
0x42: {  	_ =	shalt  }
0x43: {  	_ =	shalt  }
0x44: {  	_ =	shalt  }
0x45: {  	_ =	shalt  }
0x46: {  	_ =	shalt  }
0x47: {  	_ =	shalt  }
0x48: {  	_ =	shalt  }
0x49: {  	_ =	shalt  }
0x4a: {  	_ =	shalt  }
0x4b: {  	_ =	shalt  }
0x4c: {  	_ =	shalt  }
0x4d: {  	_ =	shalt  }
0x4e: {  	_ =	shalt  }
0x4f: {  	_ =	shalt  }
0x50: {  	_ =	shalt  }
0x51: {  	_ =	shalt  }
0x52: {  	_ =	shalt  }
0x53: {  	_ =	shalt  }
0x54: {  	_ =	shalt  }
0x55: {  	_ =	shalt  }
0x56: {  	_ =	shalt  }
0x57: {  	_ =	shalt  }
0x58: {  	_ =	shalt  }
0x59: {  	_ =	shalt  }
0x5a: {  	_ =	shalt  }
0x5b: {  	_ =	shalt  }
0x5c: {  	_ =	shalt  }
0x5d: {  	_ =	shalt  }
0x5e: {  	_ =	shalt  }
0x5f: {  	_ =	shalt  }
0x60: {  	_ =	shalt  }
0x61: {  	_ =	shalt  }
0x62: {  	_ =	shalt  }
0x63: {  	_ =	shalt  }
0x64: {  	_ =	shalt  }
0x65: {  	_ =	shalt  }
0x66: {  	_ =	shalt  }
0x67: {  	_ =	shalt  }
0x68: {  	_ =	shalt  }
0x69: {  	_ =	shalt  }
0x6a: {  	_ =	shalt  }
0x6b: {  	_ =	shalt  }
0x6c: {  	_ =	shalt  }
0x6d: {  	_ =	shalt  }
0x6e: {  	_ =	shalt  }
0x6f: {  	_ =	shalt  }
0x70: {  	_ =	shalt  }
0x71: {  	_ =	shalt  }
0x72: {  	_ =	shalt  }
0x73: {  	_ =	shalt  }
0x74: {  	_ =	shalt  }
0x75: {  	_ =	shalt  }
0x76: {  	_ =	shalt  }
0x77: {  	_ =	shalt  }
0x78: {  	_ =	shalt  }
0x79: {  	_ =	shalt  }
0x7a: {  	_ =	shalt  }
0x7b: {  	_ =	shalt  }
0x7c: {  	_ =	shalt  }
0x7d: {  	_ =	shalt  }
0x7e: {  	_ =	shalt  }
0x7f: {  	_ =	shalt  }
0x80: {  	_ =	shalt  }
0x81: {  	_ =	shalt  }
0x82: {  	_ =	shalt  }
0x83: {  	_ =	shalt  }
0x84: {  	_ =	shalt  }
0x85: {  	_ =	shalt  }
0x86: {  	_ =	shalt  }
0x87: {  	_ =	shalt  }
.Lfunc_end0:
.L_simem_size_0:
called_computation_lowered:
.L_overlay_start_0:
0x88: {  	s2 =	sld [smem:$0x3FD9]  }
0x89: {  	s3 =	sld [smem:$0x3FFE];
	_ =	sdelay $0x1  }
0x8a: {  	s1 =	srdreg.scid  }
0x8b: {  	s0 =	sand.u32 $0x1, s1  }
0x8c: {  	s14 =	sshll.u32 s0, $0xA;
	s2 =	sadd.s32 s3, s2  }
0x8d: {  	s2 =	sadd.s32 s2, s14  }
0x8e: {  	[smem:$0x3FC1] =	sst s2  }
0x8f: {  	_ = 	snop  }
0x90: {  	s2 =	sld [smem:$0x3FD0];
	_ =	sdelay $0x2  }
0x91: {  	s15 =	simm.s32 $0xA;
	s4 =	simm.s32 $0x10  }
0x92: {  	[smem:s4], [sflag:s15] =	dma.local [hbm:s2], $0x1  }
0x93: {  	_ =	swait.eq [sflag:s15], $0x1  }
0x94: {  	[sflag:s15] =	ssyncset.done $0x0  }
0x95: {  	s16 =	sld [smem:$0x10];
	[sflag:s15] =	ssyncadd.s32 $0xFFFFFFFF  }
0x96: {  	s17 =	sld [smem:$0x11];
	(tm) =	ssettm $0x1  }
0x97: {  	s18 =	sld [smem:$0x3FFB];
	_ =	sdelay $0x3  }
0x98: {  	_ =	strace s18  }
0x99: {  	s4 =	sld [smem:$0x3FFC];
	_ =	sdelay $0x3  }
0x9a: {  	_ =	strace s4  }
0x9b: {  	s4 =	sld [smem:$0x3FFD];
	_ =	sdelay $0x3  }
0x9c: {  	_ =	strace s4  }
0x9d: {  	_ =	strace $0x8FFFFFFF  }
0x9e: {  	s19 =	sld [smem:$0x3FDB];
	_ =	sdelay $0x1  }
0x9f: {  	s5 =	simm.s32 $_scs_section_size  }
0xa0: {  	s6 =	simm.s32 $_size__tile_overlayer_lowered;
	s7 =	simm.s32 $_tile_overlayer_lowered  }
0xa1: {  	s22 =	simm.s32 $0x1BFF;
	s21 =	sshll.u32 s7, $0x1;
	s4 =	sadd.s32 s5, s19  }
0xa2: {  	s8 =	simm.s32 $0x0;
	s20 =	sshll.u32 s6, $0x1;
	s6 =	sadd.s32 s21, s4  }
0xa3: {  	[timem:s8], [sflag:s22] =	dma.local [hbm:s6], s20  }
0xa4: {  	_ =	swait.ge [sflag:s22], s20  }
0xa5: {  	s5 =	ssub.s32 $0x0, s20;
	[sflag:s22] =	ssyncset.done $0x0  }
0xa6: {  	[sflag:s22] =	ssyncadd.s32 s5;
	_ =	sdelay $0x1  }
0xa7: {  	s23 =	simm.s32 $0x1B8B  }
0xa8: {  	_ =	swait.ge [sflag:s23], $0x1  }
0xa9: {  	[sflag:s23] =	ssyncset.done $0x0  }
0xaa: {  	s25 =	simm.s32 $0x1B8E;
	s24 =	sld [smem:$0x3FFE];
	[sflag:s23] =	ssyncadd.s32 $0xFFFFFFFF  }
0xab: {  	s26 =	simm.s32 $execute0_lowered;
	[smem:$0x3FD2] =	sst s25  }
0xac: {  	s6 =	sshll.u32 s26, $0x1;
	_ =	strace $0x80000046;
	[dreg:$0x1] =	wrdreg $0xFFFFFFFF  }
0xad: {  	s28 =	simm.s32 $_size_execute0_lowered;
	s4 =	sadd.s32 s4, s6;
	[dreg:$0x0] =	wrdreg $0x0  }
0xae: {  	s6 =	sshll.u32 s28, $0x1;
	[dreg:$0x2] =	wrdreg s4  }
0xaf: {  	[dreg:$0x3] =	wrdreg s6  }
0xb0: {  	[dreg:$0x4] =	wrdreg $0xC0  }
0xb1: {  	_ =	task [dreg:s8], $0x5FFFF  }
0xb2: {  	[dreg:$0x1] =	wrdreg $0xFFFFFFFF  }
0xb3: {  	[dreg:$0x0] =	wrdreg $0x60  }
0xb4: {  	[dreg:$0x2] =	wrdreg s16  }
0xb5: {  	[dreg:$0x3] =	wrdreg s17  }
0xb6: {  	[dreg:$0x4] =	wrdreg s24  }
0xb7: {  	[dreg:$0x5] =	wrdreg $0x9  }
0xb8: {  	_ =	task.clear_ibuf [dreg:s8], $0x6FFFF;
	_ =	strace $0x90000046  }
0xb9: {  	s29 =	simm.s32 $0x9;
	_ =	strace $0x80000048  }
0xba: {  	_ =	swait.ge [sflag:s29], $0x1  }
0xbb: {  	[sflag:s29] =	ssyncadd.s32 $0xFFFFFFFF  }
0xbc: {  	_ =	strace $0x90000048  }
0xbd: {  	_ =	sfence  }
0xbe: {  	s30 =	sld [smem:$0x0];
	_ =	sdelay $0x2  }
0xbf: {  	s31 =	sshll.u32 s1, $0xD;
	s1 =	sshrl.u32 s1, $0x2  }
0xc0: {  	s3 =	sand.u32 $0x4000, s31;
	s1 =	sadd.s32 s1, s30  }
0xc1: {  	s0 =	sor.u32 s3, s0;
	s1 =	sshll.u32 s1, $0x11  }
0xc2: {  	s0 =	sor.u32 s1, s0  }
0xc3: {  	s0 =	sadd.s32 $0x8F2B, s0  }
0xc4: {  	[sflag:s0] =	ssyncadd.remote.s32 $0x1  }
0xc5: {  	_ =	sfence.sel $0xFFFF  }
0xc6: {  	[dreg:$0x0] =	wrdreg $0xFFFFFFFF;
	(pc) =	sbr.abs _section_cstart, $3  }
0xc7: {  	[dreg:$0x1] =	wrdreg $0xFFFFFFFF  }
0xc8: {  	_ =	task.clear_ibuf [dreg:s8], $0x2FFFF;
	_ =	strace $0x9FFFFFFF  }
0xc9: {  	(tm) =	ssettm $0x7FFFFFFF  }
tec
execute0_lowered:
.L_overlay_start_1:
0x0: {  	(tag) =	ssettag $0x1  }
0x1: {  	s1 =	rddreg [dreg:$0x0]  }
0x2: {  	s12 =	rddreg [dreg:$0x1];
	s2 =	srdreg.scid  }
0x3: {  	s0 =	stileid.u32;
	s4 =	rddreg [dreg:$0x2]  }
0x4: {  	s3 =	simm.s32 $0x0;
	s18 =	simm.s32 $0x2;
	s19 =	simm.s32 $0x100  }
0x5: {  	s20 =	simm.s32 $0x108;
	s21 =	simm.s32 $0x8;
	s22 =	simm.s32 $0x1110  }
0x6: {  	s23 =	simm.s32 $0x1190;
	s24 =	simm.s32 $0x0;
	s8 =	sand.u32 $0x1, s2  }
0x7: {  	s5 =	sshll.u32 s0, $0x1;
	[smem:$0x7FF] =	sst s3;
	s13 =	smul.u32 $0x4E20, s0  }
0x8: {  	s11 =	sadd.s32 $0x29000, s4;
	s10 =	sadd.s32 $0x2E000, s4;
	s15 =	smul.u32 $0x2710, s0  }
0x9: {  	s9 =	sadd.s32 $0x7C200, s4;
	s26 =	ssub.s32 $0x2, s8;
	s16 =	smul.u32 $0x1388, s8  }
0xa: {  	s5 =	sor.u32 s8, s5;
	s17 =	smul.u32 $0x2710, s8;
	s28 =	sshrl.u32 s26, $0x1  }
0xb: {  	_ =	strace $0x80000047;
	s5 =	smul.u32 $0x1388, s5;
	s14 =	ssub.s32 s26, s28  }
0xc: {  	s30 =	sadd.s32 s16, s15;
	s15 =	simm.s32 $0x110;
	s16 =	simm.s32 $0x910  }
0xd: {  	s6 =	sadd.s32 $0x1380, s5;
	s8 =	smax.u32 s14, $0x1;
	s31 =	sshrl.u32 s30, $0x3  }
0xe: {  	s14 =	simm.s32 $0x80;
	s7 =	sshrl.u32 s6, $0x3;
	s29 =	sshll.u32 s6, $0x1  }
0xf: {  	s4 =	sadd.s32 s12, s7;
	s5 =	sadd.s32 s11, s7;
	s6 =	sadd.s32 s10, s29  }
0x10: {  	s7 =	sadd.s32 s9, s29;
	s9 =	sadd.s32 s13, s9;
	s10 =	sadd.s32 s13, s10  }
0x11: {  	s11 =	sadd.s32 s31, s11;
	s12 =	sadd.s32 s31, s12;
	s13 =	simm.s32 $0x3  }
0x12: {  	s9 =	sadd.s32 s17, s9;
	s10 =	sadd.s32 s17, s10;
	s17 =	simm.s32 $0x1  }
.LBB2_1:
0x13: {  	s25 =	sadd.s32 $0x0, s12  }
0x14: {  	[tilespmem:s3], [sflag:$0x3] =	stream.linear.gather [hbm4b:s25+s3], $0x80, $0x38;
	[tilespmem:$0x1210] =	vst v63  }
0x15: {  	_ =	swait.ge [sflag:s13], $0x80  }
0x16: {  	[sflag:s13] =	ssyncset.done $0x0  }
0x17: {  	s31 =	sadd.s32 $0x0, s11;
	[sflag:s13] =	ssyncadd.s32 $0xFFFFFF80  }
0x18: {  	[tilespmem:s14], [sflag:$0x3] =	stream.linear.gather [hbm4b:s31+s3], $0x80, $0x38;
	[tilespmem:$0x1210] =	vst v63  }
0x19: {  	_ =	swait.ge [sflag:s13], $0x80  }
0x1a: {  	[sflag:s13] =	ssyncset.done $0x0  }
0x1b: {  	[sflag:s13] =	ssyncadd.s32 $0xFFFFFF80  }
0x1c: {  	[tilespmem:s15], [sflag:$0x1] =	stream.indirect.gather [hbm4b:s1+s14], $0x10, s3, s14, $0xb8;
	[tilespmem:$0x1210] =	vst v63  }
0x1d: {  	_ = 	snop  }
0x1e: {  	[tilespmem:s16], [sflag:$0x2] =	stream.indirect.gather [hbm4b:s1+s14], $0x10, s14, s14, $0xb8;
	[tilespmem:$0x1210] =	vst v63  }
0x1f: {  	_ =	swait.ge [sflag:s17], $0x800  }
0x20: {  	[sflag:s17] =	ssyncset.done $0x0  }
0x21: {  	[sflag:s17] =	ssyncadd.s32 $0xFFFFF800  }
0x22: {  	[hbm4b:s10+s3] =	stream.linear.scatter [tilespmem:s15], [sflag:$0x3], $0x800, $0x38;
	[tilespmem:$0x1210] =	vst v63  }
0x23: {  	_ =	swait.ge [sflag:s13], $0x800  }
0x24: {  	[sflag:s13] =	ssyncset.done $0x0  }
0x25: {  	[sflag:s13] =	ssyncadd.s32 $0xFFFFF800  }
0x26: {  	_ =	swait.ge [sflag:s18], $0x800  }
0x27: {  	[sflag:s18] =	ssyncset.done $0x0  }
0x28: {  	[sflag:s18] =	ssyncadd.s32 $0xFFFFF800  }
0x29: {  	[hbm4b:s9+s3] =	stream.linear.scatter [tilespmem:s16], [sflag:$0x3], $0x800, $0x38;
	[tilespmem:$0x1210] =	vst v63  }
0x2a: {  	s28 =	simm.s32 $0x10;
	s29 =	simm.s32 $0x20;
	_ =	swait.ge [sflag:s13], $0x800  }
0x2b: {  	s26 =	sadd.s32 $0x100, s10;
	s25 =	sadd.s32 $0x100, s9;
	[sflag:s13] =	ssyncset.done $0x0  }
.LBB2_2:
0x2c: {  	s30 =	sadd.s32 s28, s12  }
0x2d: {  	[sflag:s13] =	ssyncadd.s32 $0xFFFFF800;
	s31 =	smov.u32 s29;
	s2 =	sadd.s32 $0x10, s29  }
0x2e: {  	[tilespmem:s3], [sflag:$0x3] =	stream.linear.gather [hbm4b:s30+s3], $0x80, $0x38;
	[tilespmem:$0x1210] =	vst v63  }
0x2f: {  	p0 =	sne.s32 s29, $0x260;
	_ =	swait.ge [sflag:s13], $0x80  }
0x30: {  	[sflag:s13] =	ssyncset.done $0x0  }
0x31: {  	s29 =	sadd.s32 s28, s11;
	s28 =	smov.u32 s31;
	[sflag:s13] =	ssyncadd.s32 $0xFFFFFF80  }
0x32: {  	[tilespmem:s14], [sflag:$0x3] =	stream.linear.gather [hbm4b:s29+s3], $0x80, $0x38;
	[tilespmem:$0x1210] =	vst v63  }
0x33: {  	_ =	swait.ge [sflag:s13], $0x80  }
0x34: {  	[sflag:s13] =	ssyncset.done $0x0  }
0x35: {  	[sflag:s13] =	ssyncadd.s32 $0xFFFFFF80  }
0x36: {  	[tilespmem:s15], [sflag:$0x1] =	stream.indirect.gather [hbm4b:s1+s14], $0x10, s3, s14, $0xb8;
	[tilespmem:$0x1210] =	vst v63  }
0x37: {  	_ = 	snop  }
0x38: {  	[tilespmem:s16], [sflag:$0x2] =	stream.indirect.gather [hbm4b:s1+s14], $0x10, s14, s14, $0xb8;
	[tilespmem:$0x1210] =	vst v63  }
0x39: {  	_ =	swait.ge [sflag:s17], $0x800  }
0x3a: {  	[sflag:s17] =	ssyncset.done $0x0  }
0x3b: {  	[sflag:s17] =	ssyncadd.s32 $0xFFFFF800  }
0x3c: {  	[hbm4b:s26+s3] =	stream.linear.scatter [tilespmem:s15], [sflag:$0x3], $0x800, $0x38;
	[tilespmem:$0x1210] =	vst v63  }
0x3d: {  	_ =	swait.ge [sflag:s13], $0x800  }
0x3e: {  	[sflag:s13] =	ssyncset.done $0x0  }
0x3f: {  	[sflag:s13] =	ssyncadd.s32 $0xFFFFF800  }
0x40: {  	_ =	swait.ge [sflag:s18], $0x800  }
.Ltmp0:
0x41: {  	[sflag:s18] =	ssyncset.done $0x0;
	(pc) =	sbr.rel @p0 .LBB2_2-.Ltmp0, $4  }
0x42: {  	[sflag:s18] =	ssyncadd.s32 $0xFFFFF800  }
0x43: {  	[hbm4b:s25+s3] =	stream.linear.scatter [tilespmem:s16], [sflag:$0x3], $0x800, $0x38;
	[tilespmem:$0x1210] =	vst v63  }
0x44: {  	s29 =	smov.u32 s2;
	_ =	swait.ge [sflag:s13], $0x800  }
0x45: {  	s26 =	sadd.s32 $0x100, s26;
	s25 =	sadd.s32 $0x100, s25;
	[sflag:s13] =	ssyncset.done $0x0  }
0x46: {  	s2 =	sadd.s32 s28, s12;
	[sflag:s13] =	ssyncadd.s32 $0xFFFFF800  }
0x47: {  	[tilespmem:s3], [sflag:$0x3] =	stream.linear.gather [hbm4b:s2+s3], $0x80, $0x38;
	[tilespmem:$0x1210] =	vst v63  }
0x48: {  	_ =	swait.ge [sflag:s13], $0x80  }
0x49: {  	[sflag:s13] =	ssyncset.done $0x0  }
0x4a: {  	s31 =	sadd.s32 s28, s11;
	[sflag:s13] =	ssyncadd.s32 $0xFFFFFF80  }
0x4b: {  	[tilespmem:s14], [sflag:$0x3] =	stream.linear.gather [hbm4b:s31+s3], $0x80, $0x38;
	[tilespmem:$0x1210] =	vst v63  }
0x4c: {  	_ =	swait.ge [sflag:s13], $0x80  }
0x4d: {  	[sflag:s13] =	ssyncset.done $0x0  }
0x4e: {  	[sflag:s13] =	ssyncadd.s32 $0xFFFFFF80  }
0x4f: {  	[tilespmem:s15], [sflag:$0x1] =	stream.indirect.gather [hbm4b:s1+s14], $0x10, s3, s14, $0xb8;
	[tilespmem:$0x1210] =	vst v63  }
0x50: {  	_ = 	snop  }
0x51: {  	[tilespmem:s16], [sflag:$0x2] =	stream.indirect.gather [hbm4b:s1+s14], $0x10, s14, s14, $0xb8;
	[tilespmem:$0x1210] =	vst v63  }
0x52: {  	_ =	swait.ge [sflag:s17], $0x800  }
0x53: {  	[sflag:s17] =	ssyncset.done $0x0  }
0x54: {  	[sflag:s17] =	ssyncadd.s32 $0xFFFFF800  }
0x55: {  	[hbm4b:s26+s3] =	stream.linear.scatter [tilespmem:s15], [sflag:$0x3], $0x800, $0x38;
	[tilespmem:$0x1210] =	vst v63  }
0x56: {  	_ =	swait.ge [sflag:s13], $0x800  }
0x57: {  	[sflag:s13] =	ssyncset.done $0x0  }
0x58: {  	[sflag:s13] =	ssyncadd.s32 $0xFFFFF800  }
0x59: {  	_ =	swait.ge [sflag:s18], $0x800  }
0x5a: {  	[sflag:s18] =	ssyncset.done $0x0  }
0x5b: {  	[sflag:s18] =	ssyncadd.s32 $0xFFFFF800  }
0x5c: {  	[hbm4b:s25+s3] =	stream.linear.scatter [tilespmem:s16], [sflag:$0x3], $0x800, $0x38;
	[tilespmem:$0x1210] =	vst v63  }
0x5d: {  	_ =	swait.ge [sflag:s13], $0x800  }
0x5e: {  	[sflag:s13] =	ssyncset.done $0x0  }
0x5f: {  	[sflag:s13] =	ssyncadd.s32 $0xFFFFF800  }
0x60: {  	[tilespmem:s19], [sflag:$0x3] =	stream.linear.gather [hbm4b:s4+s3], $0x8, $0x38;
	[tilespmem:$0x1210] =	vst v63  }
0x61: {  	_ =	swait.ge [sflag:s13], $0x8  }
0x62: {  	[sflag:s13] =	ssyncset.done $0x0  }
0x63: {  	[sflag:s13] =	ssyncadd.s32 $0xFFFFFFF8  }
0x64: {  	[tilespmem:s20], [sflag:$0x3] =	stream.linear.gather [hbm4b:s5+s3], $0x8, $0x38;
	[tilespmem:$0x1210] =	vst v63  }
0x65: {  	_ =	swait.ge [sflag:s13], $0x8  }
0x66: {  	[sflag:s13] =	ssyncset.done $0x0  }
0x67: {  	[sflag:s13] =	ssyncadd.s32 $0xFFFFFFF8  }
0x68: {  	[tilespmem:s22], [sflag:$0x1] =	stream.indirect.gather [hbm4b:s1+s21], $0x10, s19, s21, $0xb8;
	[tilespmem:$0x1210] =	vst v63  }
0x69: {  	_ = 	snop  }
0x6a: {  	[tilespmem:s23], [sflag:$0x2] =	stream.indirect.gather [hbm4b:s1+s21], $0x10, s20, s21, $0xb8;
	[tilespmem:$0x1210] =	vst v63  }
0x6b: {  	_ =	swait.ge [sflag:s17], $0x80  }
0x6c: {  	[sflag:s17] =	ssyncset.done $0x0  }
0x6d: {  	[sflag:s17] =	ssyncadd.s32 $0xFFFFFF80  }
0x6e: {  	[hbm4b:s6+s3] =	stream.linear.scatter [tilespmem:s22], [sflag:$0x3], $0x80, $0x38;
	[tilespmem:$0x1210] =	vst v63  }
0x6f: {  	_ =	swait.ge [sflag:s13], $0x80  }
0x70: {  	[sflag:s13] =	ssyncset.done $0x0  }
0x71: {  	[sflag:s13] =	ssyncadd.s32 $0xFFFFFF80  }
0x72: {  	s24 =	sadd.s32 $0x1, s24;
	_ =	swait.ge [sflag:s18], $0x80  }
0x73: {  	p0 =	sne.s32 s24, s8;
	[sflag:s18] =	ssyncset.done $0x0  }
.Ltmp1:
0x74: {  	[sflag:s18] =	ssyncadd.s32 $0xFFFFFF80;
	(pc) =	sbr.rel @p0 .LBB2_1-.Ltmp1, $4  }
0x75: {  	[hbm4b:s7+s3] =	stream.linear.scatter [tilespmem:s23], [sflag:$0x3], $0x80, $0x38;
	[tilespmem:$0x1210] =	vst v63  }
0x76: {  	_ =	swait.ge [sflag:s13], $0x80  }
0x77: {  	[sflag:s13] =	ssyncset.done $0x0  }
0x78: {  	[sflag:s13] =	ssyncadd.s32 $0xFFFFFF80  }
0x79: {  	_ =	sfence.sel $0x180000  }
0x7a: {  	[bflag:$0x0] =	sbarrier.arrive $0xFFFF  }
0x7b: {  	_ =	strace $0x90000047  }
0x7c: {  	[bflag:$0x2] =	sbarrier.arrive $0xFFFF  }
0x7d: {  	p0 =	sne.s32 s0, $0x0;
	s0 =	rddreg [dreg:$0x3]  }
0x7e: {  	s0 =	sadd.s32 @!p0 $0x100000, s0  }
0x7f: {  	[sflag:s0] =	ssyncadd.tile.s32 @!p0 $0x1;
	_ =	shalt  }
.Lfunc_end2:
_tile_overlayer_lowered:
.L_overlay_start_2:
0x80: {  	(tag) =	ssettag $0x2  }
0x81: {  	s0 =	rddreg [dreg:$0x0];
	s2 =	stileid.u32  }
0x82: {  	s1 =	rddreg [dreg:$0x1];
	p0 =	sne.s32 s2, $0x0  }
0x83: {  	s3 =	rddreg [dreg:$0x2];
	[bflag:$0x3] =	sbarrier.arrive $0xFFFF;
	s2 =	simm.s32 @!p0 $0x1C03  }
0x84: {  	[timem:s3], [sflag:s2] =	dma.local @!p0 [hbm:s0], s1  }
0x85: {  	s0 =	simm.s32 @!p0 $0x3  }
0x86: {  	_ =	swait.ge @!p0 [sflag:s0], s1  }
0x87: {  	s1 =	ssub.s32 @!p0 $0x0, s1;
	[sflag:s0] =	ssyncset.done @!p0 $0x0  }
0x88: {  	[sflag:s0] =	ssyncadd.s32 @!p0 s1  }
0x89: {  	[bflag:$0x3] =	sbarrier.arrive $0xFFFF  }
0x8a: {  	_ =	shalt  }

</sc_bundles>
